<compile_context>
chip_gen: v7x
topology: tpu7x:2x2x1
jax: 0.10.2.dev20260603
libtpu: 0.0.44.dev20260713+nightly
codegen_flags: <defaults>
</compile_context>

<pallas_src>
import functools

import jax
import jax.numpy as jnp
from jax import lax
from jax.experimental import pallas as pl
from jax.experimental.pallas import tpu as pltpu
from jax.experimental.pallas import tpu_sc as plsc

NUM_EMB = 100000
DIM = 64
BATCH = 1024

NUM_CORES = 2
NUM_SUBCORES = 16
L = 16
NCHUNK = 8
CW = 12544
CW_LAST = NUM_EMB - (NCHUNK - 1) * CW
CW_LAST_DMA = ((CW_LAST + 127) // 128) * 128
DPC = DIM // NUM_CORES
NGRP = DPC // 8
ROWS_PER_TILE = DPC // NUM_SUBCORES


def _sc_body(i1_hbm, i2_hbm, wt_hbm, out_hbm,
             i1_v, i2_v, scale_v, slab_v, part_v,
             fb0, fb1, fb2, fb3, out_v, shared, sem):
    s = lax.axis_index("s")
    c = lax.axis_index("c")
    glocal = s % NGRP
    owner = s // NGRP
    dbase = DPC * c + 8 * glocal

    pltpu.sync_copy(i1_hbm.at[pl.ds(0, BATCH)], i1_v)
    pltpu.sync_copy(i2_hbm.at[pl.ds(0, BATCH)], i2_v)

    iota = lax.iota(jnp.int32, L)

    def _prep(t):
        a = i1_v[pl.ds(t * L, L)]
        b = i2_v[pl.ds(t * L, L)]
        scale_v[pl.ds(t * L, L)] = jnp.where(
            a != b, jnp.float32(1.0), jnp.float32(0.0))
        z = jnp.zeros((L,), jnp.float32)
        for dl in range(8):
            part_v[dl, pl.ds(t * L, L)] = z

    for r in range(2):
        q = owner + NGRP * r
        cbase = pl.multiple_of(q * CW, 128)
        w = jnp.where(q == NCHUNK - 1, CW_LAST, CW).astype(jnp.int32)

        if r == 0:
            cp = pltpu.async_copy(
                wt_hbm.at[pl.ds(dbase, 8), pl.ds(cbase, CW)], slab_v, sem)
            plsc.parallel_loop(0, BATCH // L, unroll=2)(_prep)
            cp.wait()
        else:
            @pl.when(q == NCHUNK - 1)
            def _():
                pltpu.sync_copy(
                    wt_hbm.at[pl.ds(dbase, 8), pl.ds(cbase, CW_LAST_DMA)],
                    slab_v.at[:, pl.ds(0, CW_LAST_DMA)])

            @pl.when(q != NCHUNK - 1)
            def _():
                pltpu.sync_copy(
                    wt_hbm.at[pl.ds(dbase, 8), pl.ds(cbase, CW)], slab_v)

        def _make_accum(idx_ref, scaled):
            def _accum(t):
                idx = idx_ref[pl.ds(t * L, L)]
                local = idx - cbase
                m = (local >= 0) & (local < w)
                bvec = t * L + iota
                scl = scale_v[pl.ds(t * L, L)] if scaled else None
                for dl in range(8):
                    dsplat = jnp.full((L,), dl, jnp.int32)
                    v = plsc.load_gather(slab_v, [dsplat, local], mask=m)
                    if scaled:
                        v = v * scl
                    plsc.addupdate_scatter(part_v, [dsplat, bvec], v, mask=m)
            return _accum

        plsc.parallel_loop(0, BATCH // L, unroll=2)(
            _make_accum(i1_v, False))
        plsc.parallel_loop(0, BATCH // L, unroll=2)(
            _make_accum(i2_v, True))

    pltpu.sync_copy(part_v, shared.at[owner, pl.ds(8 * glocal, 8), :])
    plsc.subcore_barrier()

    rbase = ROWS_PER_TILE * s
    pltpu.sync_copy(shared.at[0, pl.ds(rbase, ROWS_PER_TILE), :], fb0)
    pltpu.sync_copy(shared.at[1, pl.ds(rbase, ROWS_PER_TILE), :], fb1)
    pltpu.sync_copy(shared.at[2, pl.ds(rbase, ROWS_PER_TILE), :], fb2)
    pltpu.sync_copy(shared.at[3, pl.ds(rbase, ROWS_PER_TILE), :], fb3)

    def _reduce(t):
        for row in range(ROWS_PER_TILE):
            sl = pl.ds(t * L, L)
            out_v[row, sl] = ((fb0[row, sl] + fb1[row, sl])
                              + (fb2[row, sl] + fb3[row, sl]))
    plsc.parallel_loop(0, BATCH // L, unroll=2)(_reduce)

    pltpu.sync_copy(out_v, out_hbm.at[pl.ds(DPC * c + rbase, ROWS_PER_TILE), :])


_two_hot_sc = functools.partial(
    pl.kernel,
    out_type=jax.ShapeDtypeStruct((DIM, BATCH), jnp.float32),
    mesh=plsc.VectorSubcoreMesh(core_axis_name="c", subcore_axis_name="s"),
    compiler_params=pltpu.CompilerParams(needs_layout_passes=False),
    scratch_types=[
        pltpu.VMEM((BATCH,), jnp.int32),
        pltpu.VMEM((BATCH,), jnp.int32),
        pltpu.VMEM((BATCH,), jnp.float32),
        pltpu.VMEM((8, CW), jnp.float32),
        pltpu.VMEM((8, BATCH), jnp.float32),
        pltpu.VMEM((ROWS_PER_TILE, BATCH), jnp.float32),
        pltpu.VMEM((ROWS_PER_TILE, BATCH), jnp.float32),
        pltpu.VMEM((ROWS_PER_TILE, BATCH), jnp.float32),
        pltpu.VMEM((ROWS_PER_TILE, BATCH), jnp.float32),
        pltpu.VMEM((ROWS_PER_TILE, BATCH), jnp.float32),
        pltpu.VMEM_SHARED((NGRP, DPC, BATCH), jnp.float32),
        pltpu.SemaphoreType.DMA,
    ],
)(_sc_body)


@jax.jit
def kernel(input_one, input_two, weight):
    i1 = input_one.astype(jnp.int32)
    i2 = input_two.astype(jnp.int32)
    return _two_hot_sc(i1, i2, weight.T).T

# --- scband reference (transcript-rebuilt; emitter-appended) ---
"""Pipeline reference for scband-two-hot-embedding-11072425689873 (READ-ONLY COPY).

The authoritative reference and input builder live on the scoring server;
editing this copy changes nothing except your own understanding.
"""

import jax, jax.numpy as jnp
import numpy as np

NUM_EMBEDDINGS = 100000
EMBEDDING_DIM = 64
BATCH = 1024


def two_hot(input_one, input_two, num_classes):
    # Faithful to torch: scatter_ writes 1.0 at each index; if the two
    # indices coincide, the entry is 1.0 (not 2.0).
    shape = input_one.shape + (num_classes,)
    ret = jnp.zeros(shape, dtype=jnp.float32)
    rows = jnp.arange(input_one.shape[0])
    ret = ret.at[rows, input_one].set(1.0)
    ret = ret.at[rows, input_two].set(1.0)
    return ret


def setup_inputs(seed: int = 0) -> dict:
    key = jax.random.key(seed)
    k1, k2, k3 = jax.random.split(key, 3)
    input_one = jax.random.randint(k1, (BATCH,), 0, NUM_EMBEDDINGS, dtype=jnp.int64 if jax.config.jax_enable_x64 else jnp.int32)
    input_two = jax.random.randint(k2, (BATCH,), 0, NUM_EMBEDDINGS, dtype=jnp.int64 if jax.config.jax_enable_x64 else jnp.int32)
    weight = jax.random.normal(k3, (NUM_EMBEDDINGS, EMBEDDING_DIM), dtype=jnp.float32)
    return {"input_one": input_one, "input_two": input_two, "weight": weight}


def reference(input_one, input_two, weight):
    # torch: F.linear(two_hot, weight.t()) = two_hot @ (weight.t()).T = two_hot @ weight
    th = two_hot(input_one, input_two, NUM_EMBEDDINGS)
    return th @ weight

if __name__ == "__main__":
    import jax
    _d = setup_inputs()
    print(jax.jit(kernel)(*tuple(_d.values())))

</pallas_src>

<mosaic_0001>
#map = affine_map<(d0, d1) -> (0)>
#map1 = affine_map<(d0, d1) -> (0, 0)>
module attributes {stable_mosaic.version = 14 : i64} {
  func.func @_sc_body(%arg0: i32, %arg1: i32, %arg2: memref<1024xi32, #tpu.memory_space<hbm>>, %arg3: memref<1024xi32, #tpu.memory_space<hbm>>, %arg4: memref<64x100000xf32, #tpu.memory_space<hbm>>, %arg5: memref<64x1024xf32, #tpu.memory_space<hbm>>, %arg6: memref<1024xi32, #tpu.memory_space<vmem>>, %arg7: memref<1024xi32, #tpu.memory_space<vmem>>, %arg8: memref<1024xf32, #tpu.memory_space<vmem>>, %arg9: memref<8x12544xf32, #tpu.memory_space<vmem>>, %arg10: memref<8x1024xf32, #tpu.memory_space<vmem>>, %arg11: memref<2x1024xf32, #tpu.memory_space<vmem>>, %arg12: memref<2x1024xf32, #tpu.memory_space<vmem>>, %arg13: memref<2x1024xf32, #tpu.memory_space<vmem>>, %arg14: memref<2x1024xf32, #tpu.memory_space<vmem>>, %arg15: memref<2x1024xf32, #tpu.memory_space<vmem>>, %arg16: memref<4x32x1024xf32, #tpu.memory_space<vmem_shared>>, %arg17: memref<!tpu.dma_semaphore, #tpu.memory_space<semaphore_mem>>) attributes {dimension_semantics = [#tpu.dimension_semantics<core_parallel>, #tpu.dimension_semantics<subcore_parallel>], iteration_bounds = array<i64: 2, 16>, scalar_prefetch = 0 : i64, scratch_operands = 12 : i64, tpu.core_type = #tpu.core_type<sc_vector_subcore>, window_params = [{transform_indices = #map}, {transform_indices = #map}, {transform_indices = #map1}, {transform_indices = #map1}]} {
    %jit3A = arith.constant 4 : i32
    %eq3A = arith.constant 0 : i32
    %eq3A_0 = arith.cmpi eq, %jit3A, %eq3A : i32
    %jit3A_1 = arith.constant 1 : i32
    %select_n3A = arith.select %eq3A_0, %jit3A_1, %jit3A : i32
    %rem3A = arith.remsi %arg1, %select_n3A : i32
    %ne3A = arith.constant 0 : i32
    %ne3A_2 = arith.cmpi ne, %rem3A, %ne3A : i32
    %lt3A = arith.constant 0 : i32
    %lt3A_3 = arith.cmpi slt, %rem3A, %lt3A : i32
    %lt3A_4 = arith.constant 0 : i32
    %lt3A_5 = arith.cmpi slt, %select_n3A, %lt3A_4 : i32
    %ne3A_6 = arith.xori %lt3A_3, %lt3A_5 : i1
    %and3A = arith.andi %ne3A_6, %ne3A_2 : i1
    %add3A = arith.addi %rem3A, %select_n3A : i32
    %select_n3A_7 = arith.select %and3A, %add3A, %rem3A : i32
    %jit3A_8 = arith.constant 4 : i32
    %div3A = arith.divsi %arg1, %jit3A_8 : i32
    %sign3A = arith.constant 0 : i32
    %sign3A_9 = arith.cmpi sgt, %arg1, %sign3A : i32
    %sign3A_10 = arith.extui %sign3A_9 : i1 to i32
    %sign3A_11 = arith.constant 0 : i32
    %sign3A_12 = arith.cmpi slt, %arg1, %sign3A_11 : i32
    %sign3A_13 = arith.extui %sign3A_12 : i1 to i32
    %sign3A_14 = arith.subi %sign3A_10, %sign3A_13 : i32
    %sign3A_15 = arith.constant 0 : i32
    %sign3A_16 = arith.cmpi sgt, %jit3A_8, %sign3A_15 : i32
    %sign3A_17 = arith.extui %sign3A_16 : i1 to i32
    %sign3A_18 = arith.constant 0 : i32
    %sign3A_19 = arith.cmpi slt, %jit3A_8, %sign3A_18 : i32
    %sign3A_20 = arith.extui %sign3A_19 : i1 to i32
    %sign3A_21 = arith.subi %sign3A_17, %sign3A_20 : i32
    %ne3A_22 = arith.cmpi ne, %sign3A_14, %sign3A_21 : i32
    %rem3A_23 = arith.remsi %arg1, %jit3A_8 : i32
    %ne3A_24 = arith.constant 0 : i32
    %ne3A_25 = arith.cmpi ne, %rem3A_23, %ne3A_24 : i32
    %and3A_26 = arith.andi %ne3A_22, %ne3A_25 : i1
    %sub3A = arith.constant 1 : i32
    %sub3A_27 = arith.subi %div3A, %sub3A : i32
    %select_n3A_28 = arith.select %and3A_26, %sub3A_27, %div3A : i32
    %mul3A = arith.constant 32 : i32
    %mul3A_29 = arith.muli %mul3A, %arg0 : i32
    %mul3A_30 = arith.constant 8 : i32
    %mul3A_31 = arith.muli %mul3A_30, %select_n3A_7 : i32
    %add3A_32 = arith.addi %mul3A_29, %mul3A_31 : i32
    "tpu.region"() ({
      %run_scoped3A_89 = tpu.sem_alloc : memref<!tpu.dma_semaphore, #tpu.memory_space<semaphore_mem>>
      %dma_start3A_90 = arith.constant 0 : i32
      %dma_start3A_91 = tpu.memref_slice %arg2[%dma_start3A_90] : memref<1024xi32, #tpu.memory_space<hbm>> -> memref<1024xi32, #tpu.memory_space<hbm>>
      %dma_start3A_92 = arith.constant 0 : i32
      %dma_start3A_93 = tpu.memref_slice %arg2[%dma_start3A_92] : memref<1024xi32, #tpu.memory_space<hbm>> -> memref<1024xi32, #tpu.memory_space<hbm>>
      tpu.enqueue_dma source(%dma_start3A_93 : memref<1024xi32, #tpu.memory_space<hbm>>) target(%arg6 : memref<1024xi32, #tpu.memory_space<vmem>>) target_semaphore(%run_scoped3A_89 : memref<!tpu.dma_semaphore, #tpu.memory_space<semaphore_mem>>)
      %dma_wait3A_94 = arith.constant 0 : i32
      %dma_wait3A_95 = tpu.memref_slice %arg2[%dma_wait3A_94] : memref<1024xi32, #tpu.memory_space<hbm>> -> memref<1024xi32, #tpu.memory_space<hbm>>
      %dma_wait3A_96 = arith.constant 0 : i32
      %dma_wait3A_97 = tpu.memref_slice %arg2[%dma_wait3A_96] : memref<1024xi32, #tpu.memory_space<hbm>> -> memref<1024xi32, #tpu.memory_space<hbm>>
      tpu.wait_dma2 semaphore(%run_scoped3A_89 : memref<!tpu.dma_semaphore, #tpu.memory_space<semaphore_mem>>) src(%dma_wait3A_97 : memref<1024xi32, #tpu.memory_space<hbm>>) dst(%arg6 : memref<1024xi32, #tpu.memory_space<vmem>>)
      tpu.yield
    }) : () -> ()
    "tpu.region"() ({
      %run_scoped3A_89 = tpu.sem_alloc : memref<!tpu.dma_semaphore, #tpu.memory_space<semaphore_mem>>
      %dma_start3A_90 = arith.constant 0 : i32
      %dma_start3A_91 = tpu.memref_slice %arg3[%dma_start3A_90] : memref<1024xi32, #tpu.memory_space<hbm>> -> memref<1024xi32, #tpu.memory_space<hbm>>
      %dma_start3A_92 = arith.constant 0 : i32
      %dma_start3A_93 = tpu.memref_slice %arg3[%dma_start3A_92] : memref<1024xi32, #tpu.memory_space<hbm>> -> memref<1024xi32, #tpu.memory_space<hbm>>
      tpu.enqueue_dma source(%dma_start3A_93 : memref<1024xi32, #tpu.memory_space<hbm>>) target(%arg7 : memref<1024xi32, #tpu.memory_space<vmem>>) target_semaphore(%run_scoped3A_89 : memref<!tpu.dma_semaphore, #tpu.memory_space<semaphore_mem>>)
      %dma_wait3A_94 = arith.constant 0 : i32
      %dma_wait3A_95 = tpu.memref_slice %arg3[%dma_wait3A_94] : memref<1024xi32, #tpu.memory_space<hbm>> -> memref<1024xi32, #tpu.memory_space<hbm>>
      %dma_wait3A_96 = arith.constant 0 : i32
      %dma_wait3A_97 = tpu.memref_slice %arg3[%dma_wait3A_96] : memref<1024xi32, #tpu.memory_space<hbm>> -> memref<1024xi32, #tpu.memory_space<hbm>>
      tpu.wait_dma2 semaphore(%run_scoped3A_89 : memref<!tpu.dma_semaphore, #tpu.memory_space<semaphore_mem>>) src(%dma_wait3A_97 : memref<1024xi32, #tpu.memory_space<hbm>>) dst(%arg7 : memref<1024xi32, #tpu.memory_space<vmem>>)
      tpu.yield
    }) : () -> ()
    %iota3A = tpu.iota {dimensions = array<i32: 0>} : vector<16xi32>
    %add3A_33 = arith.constant 0 : i32
    %add3A_34 = arith.addi %select_n3A_28, %add3A_33 : i32
    %mul3A_35 = arith.constant 12544 : i32
    %mul3A_36 = arith.muli %add3A_34, %mul3A_35 : i32
    %multiple_of3A = tpu.assume_multiple %mul3A_36, 128 : i32
    %eq3A_37 = arith.constant 7 : i32
    %eq3A_38 = arith.cmpi eq, %add3A_34, %eq3A_37 : i32
    %jit3A_39 = arith.constant 12192 : i32
    %jit3A_40 = arith.constant 12544 : i32
    %select_n3A_41 = arith.select %eq3A_38, %jit3A_39, %jit3A_40 : i32
    %dma_start3A = tpu.memref_slice %arg4[%add3A_32, %multiple_of3A] : memref<64x100000xf32, #tpu.memory_space<hbm>> -> memref<8x12544xf32, #tpu.memory_space<hbm>>
    %dma_start3A_42 = tpu.memref_slice %arg4[%add3A_32, %multiple_of3A] : memref<64x100000xf32, #tpu.memory_space<hbm>> -> memref<8x12544xf32, #tpu.memory_space<hbm>>
    tpu.enqueue_dma source(%dma_start3A_42 : memref<8x12544xf32, #tpu.memory_space<hbm>>) target(%arg9 : memref<8x12544xf32, #tpu.memory_space<vmem>>) target_semaphore(%arg17 : memref<!tpu.dma_semaphore, #tpu.memory_space<semaphore_mem>>)
    %parallel_loop3A = arith.constant 0 : i32
    %parallel_loop3A_43 = arith.constant 64 : i32
    %parallel_loop3A_44 = arith.constant 1 : i32
    scf.for %parallel_loop3A_89 = %parallel_loop3A to %parallel_loop3A_43 step %parallel_loop3A_44  : i32 {
      %parallel_loop3A_90 = arith.constant 16 : i32
      %parallel_loop3A_91 = arith.muli %parallel_loop3A_89, %parallel_loop3A_90 : i32
      %parallel_loop3A_92 = arith.index_cast %parallel_loop3A_91 : i32 to index
      %parallel_loop3A_93 = tpu.vector_load %arg6[%parallel_loop3A_92] {strides = array<i32>} : memref<1024xi32, #tpu.memory_space<vmem>>, vector<16xi32>,
      %parallel_loop3A_94 = arith.constant 16 : i32
      %parallel_loop3A_95 = arith.muli %parallel_loop3A_89, %parallel_loop3A_94 : i32
      %parallel_loop3A_96 = arith.index_cast %parallel_loop3A_95 : i32 to index
      %parallel_loop3A_97 = tpu.vector_load %arg7[%parallel_loop3A_96] {strides = array<i32>} : memref<1024xi32, #tpu.memory_space<vmem>>, vector<16xi32>,
      %parallel_loop3A_98 = arith.cmpi ne, %parallel_loop3A_93, %parallel_loop3A_97 : vector<16xi32>
      %parallel_loop3A_99 = arith.constant 1.000000e+00 : f32
      %parallel_loop3A_100 = arith.constant 0.000000e+00 : f32
      %parallel_loop3A_101 = vector.broadcast %parallel_loop3A_99 : f32 to vector<16xf32>
      %parallel_loop3A_102 = vector.broadcast %parallel_loop3A_100 : f32 to vector<16xf32>
      %parallel_loop3A_103 = arith.select %parallel_loop3A_98, %parallel_loop3A_101, %parallel_loop3A_102 : vector<16xi1>, vector<16xf32>
      %parallel_loop3A_104 = arith.constant 16 : i32
      %parallel_loop3A_105 = arith.muli %parallel_loop3A_89, %parallel_loop3A_104 : i32
      %parallel_loop3A_106 = arith.index_cast %parallel_loop3A_105 : i32 to index
      %parallel_loop3A_107 = tpu.vector_load %arg8[%parallel_loop3A_106] {strides = array<i32>} : memref<1024xf32, #tpu.memory_space<vmem>>, vector<16xf32>,
      tpu.vector_store %arg8[%parallel_loop3A_106], %parallel_loop3A_103 {strides = array<i32>} : memref<1024xf32, #tpu.memory_space<vmem>>, vector<16xf32>,
      %parallel_loop3A_108 = arith.constant 0.000000e+00 : f32
      %parallel_loop3A_109 = vector.broadcast %parallel_loop3A_108 : f32 to vector<16xf32>
      %parallel_loop3A_110 = arith.constant 16 : i32
      %parallel_loop3A_111 = arith.muli %parallel_loop3A_89, %parallel_loop3A_110 : i32
      %parallel_loop3A_112 = arith.constant 0 : i32
      %parallel_loop3A_113 = arith.index_cast %parallel_loop3A_112 : i32 to index
      %parallel_loop3A_114 = arith.index_cast %parallel_loop3A_111 : i32 to index
      %parallel_loop3A_115 = tpu.vector_load %arg10[%parallel_loop3A_113, %parallel_loop3A_114] {strides = array<i32>} : memref<8x1024xf32, #tpu.memory_space<vmem>>, vector<16xf32>,
      tpu.vector_store %arg10[%parallel_loop3A_113, %parallel_loop3A_114], %parallel_loop3A_109 {strides = array<i32>} : memref<8x1024xf32, #tpu.memory_space<vmem>>, vector<16xf32>,
      %parallel_loop3A_116 = arith.constant 16 : i32
      %parallel_loop3A_117 = arith.muli %parallel_loop3A_89, %parallel_loop3A_116 : i32
      %parallel_loop3A_118 = arith.constant 1 : i32
      %parallel_loop3A_119 = arith.index_cast %parallel_loop3A_118 : i32 to index
      %parallel_loop3A_120 = arith.index_cast %parallel_loop3A_117 : i32 to index
      %parallel_loop3A_121 = tpu.vector_load %arg10[%parallel_loop3A_119, %parallel_loop3A_120] {strides = array<i32>} : memref<8x1024xf32, #tpu.memory_space<vmem>>, vector<16xf32>,
      tpu.vector_store %arg10[%parallel_loop3A_119, %parallel_loop3A_120], %parallel_loop3A_109 {strides = array<i32>} : memref<8x1024xf32, #tpu.memory_space<vmem>>, vector<16xf32>,
      %parallel_loop3A_122 = arith.constant 16 : i32
      %parallel_loop3A_123 = arith.muli %parallel_loop3A_89, %parallel_loop3A_122 : i32
      %parallel_loop3A_124 = arith.constant 2 : i32
      %parallel_loop3A_125 = arith.index_cast %parallel_loop3A_124 : i32 to index
      %parallel_loop3A_126 = arith.index_cast %parallel_loop3A_123 : i32 to index
      %parallel_loop3A_127 = tpu.vector_load %arg10[%parallel_loop3A_125, %parallel_loop3A_126] {strides = array<i32>} : memref<8x1024xf32, #tpu.memory_space<vmem>>, vector<16xf32>,
      tpu.vector_store %arg10[%parallel_loop3A_125, %parallel_loop3A_126], %parallel_loop3A_109 {strides = array<i32>} : memref<8x1024xf32, #tpu.memory_space<vmem>>, vector<16xf32>,
      %parallel_loop3A_128 = arith.constant 16 : i32
      %parallel_loop3A_129 = arith.muli %parallel_loop3A_89, %parallel_loop3A_128 : i32
      %parallel_loop3A_130 = arith.constant 3 : i32
      %parallel_loop3A_131 = arith.index_cast %parallel_loop3A_130 : i32 to index
      %parallel_loop3A_132 = arith.index_cast %parallel_loop3A_129 : i32 to index
      %parallel_loop3A_133 = tpu.vector_load %arg10[%parallel_loop3A_131, %parallel_loop3A_132] {strides = array<i32>} : memref<8x1024xf32, #tpu.memory_space<vmem>>, vector<16xf32>,
      tpu.vector_store %arg10[%parallel_loop3A_131, %parallel_loop3A_132], %parallel_loop3A_109 {strides = array<i32>} : memref<8x1024xf32, #tpu.memory_space<vmem>>, vector<16xf32>,
      %parallel_loop3A_134 = arith.constant 16 : i32
      %parallel_loop3A_135 = arith.muli %parallel_loop3A_89, %parallel_loop3A_134 : i32
      %parallel_loop3A_136 = arith.constant 4 : i32
      %parallel_loop3A_137 = arith.index_cast %parallel_loop3A_136 : i32 to index
      %parallel_loop3A_138 = arith.index_cast %parallel_loop3A_135 : i32 to index
      %parallel_loop3A_139 = tpu.vector_load %arg10[%parallel_loop3A_137, %parallel_loop3A_138] {strides = array<i32>} : memref<8x1024xf32, #tpu.memory_space<vmem>>, vector<16xf32>,
      tpu.vector_store %arg10[%parallel_loop3A_137, %parallel_loop3A_138], %parallel_loop3A_109 {strides = array<i32>} : memref<8x1024xf32, #tpu.memory_space<vmem>>, vector<16xf32>,
      %parallel_loop3A_140 = arith.constant 16 : i32
      %parallel_loop3A_141 = arith.muli %parallel_loop3A_89, %parallel_loop3A_140 : i32
      %parallel_loop3A_142 = arith.constant 5 : i32
      %parallel_loop3A_143 = arith.index_cast %parallel_loop3A_142 : i32 to index
      %parallel_loop3A_144 = arith.index_cast %parallel_loop3A_141 : i32 to index
      %parallel_loop3A_145 = tpu.vector_load %arg10[%parallel_loop3A_143, %parallel_loop3A_144] {strides = array<i32>} : memref<8x1024xf32, #tpu.memory_space<vmem>>, vector<16xf32>,
      tpu.vector_store %arg10[%parallel_loop3A_143, %parallel_loop3A_144], %parallel_loop3A_109 {strides = array<i32>} : memref<8x1024xf32, #tpu.memory_space<vmem>>, vector<16xf32>,
      %parallel_loop3A_146 = arith.constant 16 : i32
      %parallel_loop3A_147 = arith.muli %parallel_loop3A_89, %parallel_loop3A_146 : i32
      %parallel_loop3A_148 = arith.constant 6 : i32
      %parallel_loop3A_149 = arith.index_cast %parallel_loop3A_148 : i32 to index
      %parallel_loop3A_150 = arith.index_cast %parallel_loop3A_147 : i32 to index
      %parallel_loop3A_151 = tpu.vector_load %arg10[%parallel_loop3A_149, %parallel_loop3A_150] {strides = array<i32>} : memref<8x1024xf32, #tpu.memory_space<vmem>>, vector<16xf32>,
      tpu.vector_store %arg10[%parallel_loop3A_149, %parallel_loop3A_150], %parallel_loop3A_109 {strides = array<i32>} : memref<8x1024xf32, #tpu.memory_space<vmem>>, vector<16xf32>,
      %parallel_loop3A_152 = arith.constant 16 : i32
      %parallel_loop3A_153 = arith.muli %parallel_loop3A_89, %parallel_loop3A_152 : i32
      %parallel_loop3A_154 = arith.constant 7 : i32
      %parallel_loop3A_155 = arith.index_cast %parallel_loop3A_154 : i32 to index
      %parallel_loop3A_156 = arith.index_cast %parallel_loop3A_153 : i32 to index
      %parallel_loop3A_157 = tpu.vector_load %arg10[%parallel_loop3A_155, %parallel_loop3A_156] {strides = array<i32>} : memref<8x1024xf32, #tpu.memory_space<vmem>>, vector<16xf32>,
      tpu.vector_store %arg10[%parallel_loop3A_155, %parallel_loop3A_156], %parallel_loop3A_109 {strides = array<i32>} : memref<8x1024xf32, #tpu.memory_space<vmem>>, vector<16xf32>,
    } {sc.loop_unroll_factor = 2 : i64, sc.parallel_access}
    %dma_wait3A = tpu.memref_slice %arg4[%add3A_32, %multiple_of3A] : memref<64x100000xf32, #tpu.memory_space<hbm>> -> memref<8x12544xf32, #tpu.memory_space<hbm>>
    %dma_wait3A_45 = tpu.memref_slice %arg4[%add3A_32, %multiple_of3A] : memref<64x100000xf32, #tpu.memory_space<hbm>> -> memref<8x12544xf32, #tpu.memory_space<hbm>>
    tpu.wait_dma2 semaphore(%arg17 : memref<!tpu.dma_semaphore, #tpu.memory_space<semaphore_mem>>) src(%dma_wait3A_45 : memref<8x12544xf32, #tpu.memory_space<hbm>>) dst(%arg9 : memref<8x12544xf32, #tpu.memory_space<vmem>>)
    %parallel_loop3A_46 = arith.constant 0 : i32
    %parallel_loop3A_47 = arith.constant 64 : i32
    %parallel_loop3A_48 = arith.constant 1 : i32
    scf.for %parallel_loop3A_89 = %parallel_loop3A_46 to %parallel_loop3A_47 step %parallel_loop3A_48  : i32 {
      %parallel_loop3A_90 = arith.constant 16 : i32
      %parallel_loop3A_91 = arith.muli %parallel_loop3A_89, %parallel_loop3A_90 : i32
      %parallel_loop3A_92 = arith.index_cast %parallel_loop3A_91 : i32 to index
      %parallel_loop3A_93 = tpu.vector_load %arg6[%parallel_loop3A_92] {strides = array<i32>} : memref<1024xi32, #tpu.memory_space<vmem>>, vector<16xi32>,
      %parallel_loop3A_94 = vector.broadcast %multiple_of3A : i32 to vector<16xi32>
      %parallel_loop3A_95 = arith.subi %parallel_loop3A_93, %parallel_loop3A_94 : vector<16xi32>
      %parallel_loop3A_96 = arith.constant 0 : i32
      %parallel_loop3A_97 = vector.broadcast %parallel_loop3A_96 : i32 to vector<16xi32>
      %parallel_loop3A_98 = arith.cmpi sge, %parallel_loop3A_95, %parallel_loop3A_97 : vector<16xi32>
      %parallel_loop3A_99 = vector.broadcast %select_n3A_41 : i32 to vector<16xi32>
      %parallel_loop3A_100 = arith.cmpi slt, %parallel_loop3A_95, %parallel_loop3A_99 : vector<16xi32>
      %parallel_loop3A_101 = arith.andi %parallel_loop3A_98, %parallel_loop3A_100 : vector<16xi1>
      %parallel_loop3A_102 = arith.constant 16 : i32
      %parallel_loop3A_103 = arith.muli %parallel_loop3A_89, %parallel_loop3A_102 : i32
      %parallel_loop3A_104 = vector.broadcast %parallel_loop3A_103 : i32 to vector<16xi32>
      %parallel_loop3A_105 = arith.addi %parallel_loop3A_104, %iota3A : vector<16xi32>
      %parallel_loop3A_106 = arith.constant 0 : i32
      %parallel_loop3A_107 = vector.broadcast %parallel_loop3A_106 : i32 to vector<16xi32>
      %parallel_loop3A_108 = tpu.vector_load_idx %arg9[%parallel_loop3A_107, %parallel_loop3A_95] masked %parallel_loop3A_101 : memref<8x12544xf32, #tpu.memory_space<vmem>>[vector<16xi32>, vector<16xi32>], vector<16xf32>, vector<16xi1>
      tpu.vector_store_idx %arg10[%parallel_loop3A_107, %parallel_loop3A_105], %parallel_loop3A_108 masked %parallel_loop3A_101 {add = true} : memref<8x1024xf32, #tpu.memory_space<vmem>>[vector<16xi32>, vector<16xi32>], vector<16xf32>, vector<16xi1>
      %parallel_loop3A_109 = arith.constant 1 : i32
      %parallel_loop3A_110 = vector.broadcast %parallel_loop3A_109 : i32 to vector<16xi32>
      %parallel_loop3A_111 = tpu.vector_load_idx %arg9[%parallel_loop3A_110, %parallel_loop3A_95] masked %parallel_loop3A_101 : memref<8x12544xf32, #tpu.memory_space<vmem>>[vector<16xi32>, vector<16xi32>], vector<16xf32>, vector<16xi1>
      tpu.vector_store_idx %arg10[%parallel_loop3A_110, %parallel_loop3A_105], %parallel_loop3A_111 masked %parallel_loop3A_101 {add = true} : memref<8x1024xf32, #tpu.memory_space<vmem>>[vector<16xi32>, vector<16xi32>], vector<16xf32>, vector<16xi1>
      %parallel_loop3A_112 = arith.constant 2 : i32
      %parallel_loop3A_113 = vector.broadcast %parallel_loop3A_112 : i32 to vector<16xi32>
      %parallel_loop3A_114 = tpu.vector_load_idx %arg9[%parallel_loop3A_113, %parallel_loop3A_95] masked %parallel_loop3A_101 : memref<8x12544xf32, #tpu.memory_space<vmem>>[vector<16xi32>, vector<16xi32>], vector<16xf32>, vector<16xi1>
      tpu.vector_store_idx %arg10[%parallel_loop3A_113, %parallel_loop3A_105], %parallel_loop3A_114 masked %parallel_loop3A_101 {add = true} : memref<8x1024xf32, #tpu.memory_space<vmem>>[vector<16xi32>, vector<16xi32>], vector<16xf32>, vector<16xi1>
      %parallel_loop3A_115 = arith.constant 3 : i32
      %parallel_loop3A_116 = vector.broadcast %parallel_loop3A_115 : i32 to vector<16xi32>
      %parallel_loop3A_117 = tpu.vector_load_idx %arg9[%parallel_loop3A_116, %parallel_loop3A_95] masked %parallel_loop3A_101 : memref<8x12544xf32, #tpu.memory_space<vmem>>[vector<16xi32>, vector<16xi32>], vector<16xf32>, vector<16xi1>
      tpu.vector_store_idx %arg10[%parallel_loop3A_116, %parallel_loop3A_105], %parallel_loop3A_117 masked %parallel_loop3A_101 {add = true} : memref<8x1024xf32, #tpu.memory_space<vmem>>[vector<16xi32>, vector<16xi32>], vector<16xf32>, vector<16xi1>
      %parallel_loop3A_118 = arith.constant 4 : i32
      %parallel_loop3A_119 = vector.broadcast %parallel_loop3A_118 : i32 to vector<16xi32>
      %parallel_loop3A_120 = tpu.vector_load_idx %arg9[%parallel_loop3A_119, %parallel_loop3A_95] masked %parallel_loop3A_101 : memref<8x12544xf32, #tpu.memory_space<vmem>>[vector<16xi32>, vector<16xi32>], vector<16xf32>, vector<16xi1>
      tpu.vector_store_idx %arg10[%parallel_loop3A_119, %parallel_loop3A_105], %parallel_loop3A_120 masked %parallel_loop3A_101 {add = true} : memref<8x1024xf32, #tpu.memory_space<vmem>>[vector<16xi32>, vector<16xi32>], vector<16xf32>, vector<16xi1>
      %parallel_loop3A_121 = arith.constant 5 : i32
      %parallel_loop3A_122 = vector.broadcast %parallel_loop3A_121 : i32 to vector<16xi32>
      %parallel_loop3A_123 = tpu.vector_load_idx %arg9[%parallel_loop3A_122, %parallel_loop3A_95] masked %parallel_loop3A_101 : memref<8x12544xf32, #tpu.memory_space<vmem>>[vector<16xi32>, vector<16xi32>], vector<16xf32>, vector<16xi1>
      tpu.vector_store_idx %arg10[%parallel_loop3A_122, %parallel_loop3A_105], %parallel_loop3A_123 masked %parallel_loop3A_101 {add = true} : memref<8x1024xf32, #tpu.memory_space<vmem>>[vector<16xi32>, vector<16xi32>], vector<16xf32>, vector<16xi1>
      %parallel_loop3A_124 = arith.constant 6 : i32
      %parallel_loop3A_125 = vector.broadcast %parallel_loop3A_124 : i32 to vector<16xi32>
      %parallel_loop3A_126 = tpu.vector_load_idx %arg9[%parallel_loop3A_125, %parallel_loop3A_95] masked %parallel_loop3A_101 : memref<8x12544xf32, #tpu.memory_space<vmem>>[vector<16xi32>, vector<16xi32>], vector<16xf32>, vector<16xi1>
      tpu.vector_store_idx %arg10[%parallel_loop3A_125, %parallel_loop3A_105], %parallel_loop3A_126 masked %parallel_loop3A_101 {add = true} : memref<8x1024xf32, #tpu.memory_space<vmem>>[vector<16xi32>, vector<16xi32>], vector<16xf32>, vector<16xi1>
      %parallel_loop3A_127 = arith.constant 7 : i32
      %parallel_loop3A_128 = vector.broadcast %parallel_loop3A_127 : i32 to vector<16xi32>
      %parallel_loop3A_129 = tpu.vector_load_idx %arg9[%parallel_loop3A_128, %parallel_loop3A_95] masked %parallel_loop3A_101 : memref<8x12544xf32, #tpu.memory_space<vmem>>[vector<16xi32>, vector<16xi32>], vector<16xf32>, vector<16xi1>
      tpu.vector_store_idx %arg10[%parallel_loop3A_128, %parallel_loop3A_105], %parallel_loop3A_129 masked %parallel_loop3A_101 {add = true} : memref<8x1024xf32, #tpu.memory_space<vmem>>[vector<16xi32>, vector<16xi32>], vector<16xf32>, vector<16xi1>
    } {sc.loop_unroll_factor = 2 : i64, sc.parallel_access}
    %parallel_loop3A_49 = arith.constant 0 : i32
    %parallel_loop3A_50 = arith.constant 64 : i32
    %parallel_loop3A_51 = arith.constant 1 : i32
    scf.for %parallel_loop3A_89 = %parallel_loop3A_49 to %parallel_loop3A_50 step %parallel_loop3A_51  : i32 {
      %parallel_loop3A_90 = arith.constant 16 : i32
      %parallel_loop3A_91 = arith.muli %parallel_loop3A_89, %parallel_loop3A_90 : i32
      %parallel_loop3A_92 = arith.index_cast %parallel_loop3A_91 : i32 to index
      %parallel_loop3A_93 = tpu.vector_load %arg7[%parallel_loop3A_92] {strides = array<i32>} : memref<1024xi32, #tpu.memory_space<vmem>>, vector<16xi32>,
      %parallel_loop3A_94 = vector.broadcast %multiple_of3A : i32 to vector<16xi32>
      %parallel_loop3A_95 = arith.subi %parallel_loop3A_93, %parallel_loop3A_94 : vector<16xi32>
      %parallel_loop3A_96 = arith.constant 0 : i32
      %parallel_loop3A_97 = vector.broadcast %parallel_loop3A_96 : i32 to vector<16xi32>
      %parallel_loop3A_98 = arith.cmpi sge, %parallel_loop3A_95, %parallel_loop3A_97 : vector<16xi32>
      %parallel_loop3A_99 = vector.broadcast %select_n3A_41 : i32 to vector<16xi32>
      %parallel_loop3A_100 = arith.cmpi slt, %parallel_loop3A_95, %parallel_loop3A_99 : vector<16xi32>
      %parallel_loop3A_101 = arith.andi %parallel_loop3A_98, %parallel_loop3A_100 : vector<16xi1>
      %parallel_loop3A_102 = arith.constant 16 : i32
      %parallel_loop3A_103 = arith.muli %parallel_loop3A_89, %parallel_loop3A_102 : i32
      %parallel_loop3A_104 = vector.broadcast %parallel_loop3A_103 : i32 to vector<16xi32>
      %parallel_loop3A_105 = arith.addi %parallel_loop3A_104, %iota3A : vector<16xi32>
      %parallel_loop3A_106 = arith.constant 16 : i32
      %parallel_loop3A_107 = arith.muli %parallel_loop3A_89, %parallel_loop3A_106 : i32
      %parallel_loop3A_108 = arith.index_cast %parallel_loop3A_107 : i32 to index
      %parallel_loop3A_109 = tpu.vector_load %arg8[%parallel_loop3A_108] {strides = array<i32>} : memref<1024xf32, #tpu.memory_space<vmem>>, vector<16xf32>,
      %parallel_loop3A_110 = arith.constant 0 : i32
      %parallel_loop3A_111 = vector.broadcast %parallel_loop3A_110 : i32 to vector<16xi32>
      %parallel_loop3A_112 = tpu.vector_load_idx %arg9[%parallel_loop3A_111, %parallel_loop3A_95] masked %parallel_loop3A_101 : memref<8x12544xf32, #tpu.memory_space<vmem>>[vector<16xi32>, vector<16xi32>], vector<16xf32>, vector<16xi1>
      %parallel_loop3A_113 = arith.mulf %parallel_loop3A_112, %parallel_loop3A_109 : vector<16xf32>
      tpu.vector_store_idx %arg10[%parallel_loop3A_111, %parallel_loop3A_105], %parallel_loop3A_113 masked %parallel_loop3A_101 {add = true} : memref<8x1024xf32, #tpu.memory_space<vmem>>[vector<16xi32>, vector<16xi32>], vector<16xf32>, vector<16xi1>
      %parallel_loop3A_114 = arith.constant 1 : i32
      %parallel_loop3A_115 = vector.broadcast %parallel_loop3A_114 : i32 to vector<16xi32>
      %parallel_loop3A_116 = tpu.vector_load_idx %arg9[%parallel_loop3A_115, %parallel_loop3A_95] masked %parallel_loop3A_101 : memref<8x12544xf32, #tpu.memory_space<vmem>>[vector<16xi32>, vector<16xi32>], vector<16xf32>, vector<16xi1>
      %parallel_loop3A_117 = arith.mulf %parallel_loop3A_116, %parallel_loop3A_109 : vector<16xf32>
      tpu.vector_store_idx %arg10[%parallel_loop3A_115, %parallel_loop3A_105], %parallel_loop3A_117 masked %parallel_loop3A_101 {add = true} : memref<8x1024xf32, #tpu.memory_space<vmem>>[vector<16xi32>, vector<16xi32>], vector<16xf32>, vector<16xi1>
      %parallel_loop3A_118 = arith.constant 2 : i32
      %parallel_loop3A_119 = vector.broadcast %parallel_loop3A_118 : i32 to vector<16xi32>
      %parallel_loop3A_120 = tpu.vector_load_idx %arg9[%parallel_loop3A_119, %parallel_loop3A_95] masked %parallel_loop3A_101 : memref<8x12544xf32, #tpu.memory_space<vmem>>[vector<16xi32>, vector<16xi32>], vector<16xf32>, vector<16xi1>
      %parallel_loop3A_121 = arith.mulf %parallel_loop3A_120, %parallel_loop3A_109 : vector<16xf32>
      tpu.vector_store_idx %arg10[%parallel_loop3A_119, %parallel_loop3A_105], %parallel_loop3A_121 masked %parallel_loop3A_101 {add = true} : memref<8x1024xf32, #tpu.memory_space<vmem>>[vector<16xi32>, vector<16xi32>], vector<16xf32>, vector<16xi1>
      %parallel_loop3A_122 = arith.constant 3 : i32
      %parallel_loop3A_123 = vector.broadcast %parallel_loop3A_122 : i32 to vector<16xi32>
      %parallel_loop3A_124 = tpu.vector_load_idx %arg9[%parallel_loop3A_123, %parallel_loop3A_95] masked %parallel_loop3A_101 : memref<8x12544xf32, #tpu.memory_space<vmem>>[vector<16xi32>, vector<16xi32>], vector<16xf32>, vector<16xi1>
      %parallel_loop3A_125 = arith.mulf %parallel_loop3A_124, %parallel_loop3A_109 : vector<16xf32>
      tpu.vector_store_idx %arg10[%parallel_loop3A_123, %parallel_loop3A_105], %parallel_loop3A_125 masked %parallel_loop3A_101 {add = true} : memref<8x1024xf32, #tpu.memory_space<vmem>>[vector<16xi32>, vector<16xi32>], vector<16xf32>, vector<16xi1>
      %parallel_loop3A_126 = arith.constant 4 : i32
      %parallel_loop3A_127 = vector.broadcast %parallel_loop3A_126 : i32 to vector<16xi32>
      %parallel_loop3A_128 = tpu.vector_load_idx %arg9[%parallel_loop3A_127, %parallel_loop3A_95] masked %parallel_loop3A_101 : memref<8x12544xf32, #tpu.memory_space<vmem>>[vector<16xi32>, vector<16xi32>], vector<16xf32>, vector<16xi1>
      %parallel_loop3A_129 = arith.mulf %parallel_loop3A_128, %parallel_loop3A_109 : vector<16xf32>
      tpu.vector_store_idx %arg10[%parallel_loop3A_127, %parallel_loop3A_105], %parallel_loop3A_129 masked %parallel_loop3A_101 {add = true} : memref<8x1024xf32, #tpu.memory_space<vmem>>[vector<16xi32>, vector<16xi32>], vector<16xf32>, vector<16xi1>
      %parallel_loop3A_130 = arith.constant 5 : i32
      %parallel_loop3A_131 = vector.broadcast %parallel_loop3A_130 : i32 to vector<16xi32>
      %parallel_loop3A_132 = tpu.vector_load_idx %arg9[%parallel_loop3A_131, %parallel_loop3A_95] masked %parallel_loop3A_101 : memref<8x12544xf32, #tpu.memory_space<vmem>>[vector<16xi32>, vector<16xi32>], vector<16xf32>, vector<16xi1>
      %parallel_loop3A_133 = arith.mulf %parallel_loop3A_132, %parallel_loop3A_109 : vector<16xf32>
      tpu.vector_store_idx %arg10[%parallel_loop3A_131, %parallel_loop3A_105], %parallel_loop3A_133 masked %parallel_loop3A_101 {add = true} : memref<8x1024xf32, #tpu.memory_space<vmem>>[vector<16xi32>, vector<16xi32>], vector<16xf32>, vector<16xi1>
      %parallel_loop3A_134 = arith.constant 6 : i32
      %parallel_loop3A_135 = vector.broadcast %parallel_loop3A_134 : i32 to vector<16xi32>
      %parallel_loop3A_136 = tpu.vector_load_idx %arg9[%parallel_loop3A_135, %parallel_loop3A_95] masked %parallel_loop3A_101 : memref<8x12544xf32, #tpu.memory_space<vmem>>[vector<16xi32>, vector<16xi32>], vector<16xf32>, vector<16xi1>
      %parallel_loop3A_137 = arith.mulf %parallel_loop3A_136, %parallel_loop3A_109 : vector<16xf32>
      tpu.vector_store_idx %arg10[%parallel_loop3A_135, %parallel_loop3A_105], %parallel_loop3A_137 masked %parallel_loop3A_101 {add = true} : memref<8x1024xf32, #tpu.memory_space<vmem>>[vector<16xi32>, vector<16xi32>], vector<16xf32>, vector<16xi1>
      %parallel_loop3A_138 = arith.constant 7 : i32
      %parallel_loop3A_139 = vector.broadcast %parallel_loop3A_138 : i32 to vector<16xi32>
      %parallel_loop3A_140 = tpu.vector_load_idx %arg9[%parallel_loop3A_139, %parallel_loop3A_95] masked %parallel_loop3A_101 : memref<8x12544xf32, #tpu.memory_space<vmem>>[vector<16xi32>, vector<16xi32>], vector<16xf32>, vector<16xi1>
      %parallel_loop3A_141 = arith.mulf %parallel_loop3A_140, %parallel_loop3A_109 : vector<16xf32>
      tpu.vector_store_idx %arg10[%parallel_loop3A_139, %parallel_loop3A_105], %parallel_loop3A_141 masked %parallel_loop3A_101 {add = true} : memref<8x1024xf32, #tpu.memory_space<vmem>>[vector<16xi32>, vector<16xi32>], vector<16xf32>, vector<16xi1>
    } {sc.loop_unroll_factor = 2 : i64, sc.parallel_access}
    %add3A_52 = arith.constant 4 : i32
    %add3A_53 = arith.addi %select_n3A_28, %add3A_52 : i32
    %mul3A_54 = arith.constant 12544 : i32
    %mul3A_55 = arith.muli %add3A_53, %mul3A_54 : i32
    %multiple_of3A_56 = tpu.assume_multiple %mul3A_55, 128 : i32
    %eq3A_57 = arith.constant 7 : i32
    %eq3A_58 = arith.cmpi eq, %add3A_53, %eq3A_57 : i32
    %jit3A_59 = arith.constant 12192 : i32
    %jit3A_60 = arith.constant 12544 : i32
    %select_n3A_61 = arith.select %eq3A_58, %jit3A_59, %jit3A_60 : i32
    %eq3A_62 = arith.constant 7 : i32
    %eq3A_63 = arith.cmpi eq, %add3A_53, %eq3A_62 : i32
    %convert_element_type3A = arith.extui %eq3A_63 : i1 to i32
    %cond3A = arith.constant 0 : i32
    %cond3A_64 = arith.cmpi ne, %convert_element_type3A, %cond3A : i32
    scf.if %cond3A_64 {
      "tpu.region"() ({
        %run_scoped3A_89 = tpu.sem_alloc : memref<!tpu.dma_semaphore, #tpu.memory_space<semaphore_mem>>
        %dma_start3A_90 = arith.constant 0 : i32
        %dma_start3A_91 = arith.constant 0 : i32
        %dma_start3A_92 = tpu.memref_slice %arg9[%dma_start3A_90, %dma_start3A_91] : memref<8x12544xf32, #tpu.memory_space<vmem>> -> memref<8x12288xf32, #tpu.memory_space<vmem>>
        %dma_start3A_93 = tpu.memref_slice %arg4[%add3A_32, %multiple_of3A_56] : memref<64x100000xf32, #tpu.memory_space<hbm>> -> memref<8x12288xf32, #tpu.memory_space<hbm>>
        %dma_start3A_94 = arith.constant 0 : i32
        %dma_start3A_95 = arith.constant 0 : i32
        %dma_start3A_96 = tpu.memref_slice %arg9[%dma_start3A_94, %dma_start3A_95] : memref<8x12544xf32, #tpu.memory_space<vmem>> -> memref<8x12288xf32, #tpu.memory_space<vmem>>
        %dma_start3A_97 = tpu.memref_slice %arg4[%add3A_32, %multiple_of3A_56] : memref<64x100000xf32, #tpu.memory_space<hbm>> -> memref<8x12288xf32, #tpu.memory_space<hbm>>
        tpu.enqueue_dma source(%dma_start3A_97 : memref<8x12288xf32, #tpu.memory_space<hbm>>) target(%dma_start3A_96 : memref<8x12288xf32, #tpu.memory_space<vmem>>) target_semaphore(%run_scoped3A_89 : memref<!tpu.dma_semaphore, #tpu.memory_space<semaphore_mem>>)
        %dma_wait3A_98 = arith.constant 0 : i32
        %dma_wait3A_99 = arith.constant 0 : i32
        %dma_wait3A_100 = tpu.memref_slice %arg9[%dma_wait3A_98, %dma_wait3A_99] : memref<8x12544xf32, #tpu.memory_space<vmem>> -> memref<8x12288xf32, #tpu.memory_space<vmem>>
        %dma_wait3A_101 = tpu.memref_slice %arg4[%add3A_32, %multiple_of3A_56] : memref<64x100000xf32, #tpu.memory_space<hbm>> -> memref<8x12288xf32, #tpu.memory_space<hbm>>
        %dma_wait3A_102 = arith.constant 0 : i32
        %dma_wait3A_103 = arith.constant 0 : i32
        %dma_wait3A_104 = tpu.memref_slice %arg9[%dma_wait3A_102, %dma_wait3A_103] : memref<8x12544xf32, #tpu.memory_space<vmem>> -> memref<8x12288xf32, #tpu.memory_space<vmem>>
        %dma_wait3A_105 = tpu.memref_slice %arg4[%add3A_32, %multiple_of3A_56] : memref<64x100000xf32, #tpu.memory_space<hbm>> -> memref<8x12288xf32, #tpu.memory_space<hbm>>
        tpu.wait_dma2 semaphore(%run_scoped3A_89 : memref<!tpu.dma_semaphore, #tpu.memory_space<semaphore_mem>>) src(%dma_wait3A_105 : memref<8x12288xf32, #tpu.memory_space<hbm>>) dst(%dma_wait3A_104 : memref<8x12288xf32, #tpu.memory_space<vmem>>)
        tpu.yield
      }) : () -> ()
    } else {
    }
    %ne3A_65 = arith.constant 7 : i32
    %ne3A_66 = arith.cmpi ne, %add3A_53, %ne3A_65 : i32
    %convert_element_type3A_67 = arith.extui %ne3A_66 : i1 to i32
    %cond3A_68 = arith.constant 0 : i32
    %cond3A_69 = arith.cmpi ne, %convert_element_type3A_67, %cond3A_68 : i32
    scf.if %cond3A_69 {
      "tpu.region"() ({
        %run_scoped3A_89 = tpu.sem_alloc : memref<!tpu.dma_semaphore, #tpu.memory_space<semaphore_mem>>
        %dma_start3A_90 = tpu.memref_slice %arg4[%add3A_32, %multiple_of3A_56] : memref<64x100000xf32, #tpu.memory_space<hbm>> -> memref<8x12544xf32, #tpu.memory_space<hbm>>
        %dma_start3A_91 = tpu.memref_slice %arg4[%add3A_32, %multiple_of3A_56] : memref<64x100000xf32, #tpu.memory_space<hbm>> -> memref<8x12544xf32, #tpu.memory_space<hbm>>
        tpu.enqueue_dma source(%dma_start3A_91 : memref<8x12544xf32, #tpu.memory_space<hbm>>) target(%arg9 : memref<8x12544xf32, #tpu.memory_space<vmem>>) target_semaphore(%run_scoped3A_89 : memref<!tpu.dma_semaphore, #tpu.memory_space<semaphore_mem>>)
        %dma_wait3A_92 = tpu.memref_slice %arg4[%add3A_32, %multiple_of3A_56] : memref<64x100000xf32, #tpu.memory_space<hbm>> -> memref<8x12544xf32, #tpu.memory_space<hbm>>
        %dma_wait3A_93 = tpu.memref_slice %arg4[%add3A_32, %multiple_of3A_56] : memref<64x100000xf32, #tpu.memory_space<hbm>> -> memref<8x12544xf32, #tpu.memory_space<hbm>>
        tpu.wait_dma2 semaphore(%run_scoped3A_89 : memref<!tpu.dma_semaphore, #tpu.memory_space<semaphore_mem>>) src(%dma_wait3A_93 : memref<8x12544xf32, #tpu.memory_space<hbm>>) dst(%arg9 : memref<8x12544xf32, #tpu.memory_space<vmem>>)
        tpu.yield
      }) : () -> ()
    } else {
    }
    %parallel_loop3A_70 = arith.constant 0 : i32
    %parallel_loop3A_71 = arith.constant 64 : i32
    %parallel_loop3A_72 = arith.constant 1 : i32
    scf.for %parallel_loop3A_89 = %parallel_loop3A_70 to %parallel_loop3A_71 step %parallel_loop3A_72  : i32 {
      %parallel_loop3A_90 = arith.constant 16 : i32
      %parallel_loop3A_91 = arith.muli %parallel_loop3A_89, %parallel_loop3A_90 : i32
      %parallel_loop3A_92 = arith.index_cast %parallel_loop3A_91 : i32 to index
      %parallel_loop3A_93 = tpu.vector_load %arg6[%parallel_loop3A_92] {strides = array<i32>} : memref<1024xi32, #tpu.memory_space<vmem>>, vector<16xi32>,
      %parallel_loop3A_94 = vector.broadcast %multiple_of3A_56 : i32 to vector<16xi32>
      %parallel_loop3A_95 = arith.subi %parallel_loop3A_93, %parallel_loop3A_94 : vector<16xi32>
      %parallel_loop3A_96 = arith.constant 0 : i32
      %parallel_loop3A_97 = vector.broadcast %parallel_loop3A_96 : i32 to vector<16xi32>
      %parallel_loop3A_98 = arith.cmpi sge, %parallel_loop3A_95, %parallel_loop3A_97 : vector<16xi32>
      %parallel_loop3A_99 = vector.broadcast %select_n3A_61 : i32 to vector<16xi32>
      %parallel_loop3A_100 = arith.cmpi slt, %parallel_loop3A_95, %parallel_loop3A_99 : vector<16xi32>
      %parallel_loop3A_101 = arith.andi %parallel_loop3A_98, %parallel_loop3A_100 : vector<16xi1>
      %parallel_loop3A_102 = arith.constant 16 : i32
      %parallel_loop3A_103 = arith.muli %parallel_loop3A_89, %parallel_loop3A_102 : i32
      %parallel_loop3A_104 = vector.broadcast %parallel_loop3A_103 : i32 to vector<16xi32>
      %parallel_loop3A_105 = arith.addi %parallel_loop3A_104, %iota3A : vector<16xi32>
      %parallel_loop3A_106 = arith.constant 0 : i32
      %parallel_loop3A_107 = vector.broadcast %parallel_loop3A_106 : i32 to vector<16xi32>
      %parallel_loop3A_108 = tpu.vector_load_idx %arg9[%parallel_loop3A_107, %parallel_loop3A_95] masked %parallel_loop3A_101 : memref<8x12544xf32, #tpu.memory_space<vmem>>[vector<16xi32>, vector<16xi32>], vector<16xf32>, vector<16xi1>
      tpu.vector_store_idx %arg10[%parallel_loop3A_107, %parallel_loop3A_105], %parallel_loop3A_108 masked %parallel_loop3A_101 {add = true} : memref<8x1024xf32, #tpu.memory_space<vmem>>[vector<16xi32>, vector<16xi32>], vector<16xf32>, vector<16xi1>
      %parallel_loop3A_109 = arith.constant 1 : i32
      %parallel_loop3A_110 = vector.broadcast %parallel_loop3A_109 : i32 to vector<16xi32>
      %parallel_loop3A_111 = tpu.vector_load_idx %arg9[%parallel_loop3A_110, %parallel_loop3A_95] masked %parallel_loop3A_101 : memref<8x12544xf32, #tpu.memory_space<vmem>>[vector<16xi32>, vector<16xi32>], vector<16xf32>, vector<16xi1>
      tpu.vector_store_idx %arg10[%parallel_loop3A_110, %parallel_loop3A_105], %parallel_loop3A_111 masked %parallel_loop3A_101 {add = true} : memref<8x1024xf32, #tpu.memory_space<vmem>>[vector<16xi32>, vector<16xi32>], vector<16xf32>, vector<16xi1>
      %parallel_loop3A_112 = arith.constant 2 : i32
      %parallel_loop3A_113 = vector.broadcast %parallel_loop3A_112 : i32 to vector<16xi32>
      %parallel_loop3A_114 = tpu.vector_load_idx %arg9[%parallel_loop3A_113, %parallel_loop3A_95] masked %parallel_loop3A_101 : memref<8x12544xf32, #tpu.memory_space<vmem>>[vector<16xi32>, vector<16xi32>], vector<16xf32>, vector<16xi1>
      tpu.vector_store_idx %arg10[%parallel_loop3A_113, %parallel_loop3A_105], %parallel_loop3A_114 masked %parallel_loop3A_101 {add = true} : memref<8x1024xf32, #tpu.memory_space<vmem>>[vector<16xi32>, vector<16xi32>], vector<16xf32>, vector<16xi1>
      %parallel_loop3A_115 = arith.constant 3 : i32
      %parallel_loop3A_116 = vector.broadcast %parallel_loop3A_115 : i32 to vector<16xi32>
      %parallel_loop3A_117 = tpu.vector_load_idx %arg9[%parallel_loop3A_116, %parallel_loop3A_95] masked %parallel_loop3A_101 : memref<8x12544xf32, #tpu.memory_space<vmem>>[vector<16xi32>, vector<16xi32>], vector<16xf32>, vector<16xi1>
      tpu.vector_store_idx %arg10[%parallel_loop3A_116, %parallel_loop3A_105], %parallel_loop3A_117 masked %parallel_loop3A_101 {add = true} : memref<8x1024xf32, #tpu.memory_space<vmem>>[vector<16xi32>, vector<16xi32>], vector<16xf32>, vector<16xi1>
      %parallel_loop3A_118 = arith.constant 4 : i32
      %parallel_loop3A_119 = vector.broadcast %parallel_loop3A_118 : i32 to vector<16xi32>
      %parallel_loop3A_120 = tpu.vector_load_idx %arg9[%parallel_loop3A_119, %parallel_loop3A_95] masked %parallel_loop3A_101 : memref<8x12544xf32, #tpu.memory_space<vmem>>[vector<16xi32>, vector<16xi32>], vector<16xf32>, vector<16xi1>
      tpu.vector_store_idx %arg10[%parallel_loop3A_119, %parallel_loop3A_105], %parallel_loop3A_120 masked %parallel_loop3A_101 {add = true} : memref<8x1024xf32, #tpu.memory_space<vmem>>[vector<16xi32>, vector<16xi32>], vector<16xf32>, vector<16xi1>
      %parallel_loop3A_121 = arith.constant 5 : i32
      %parallel_loop3A_122 = vector.broadcast %parallel_loop3A_121 : i32 to vector<16xi32>
      %parallel_loop3A_123 = tpu.vector_load_idx %arg9[%parallel_loop3A_122, %parallel_loop3A_95] masked %parallel_loop3A_101 : memref<8x12544xf32, #tpu.memory_space<vmem>>[vector<16xi32>, vector<16xi32>], vector<16xf32>, vector<16xi1>
      tpu.vector_store_idx %arg10[%parallel_loop3A_122, %parallel_loop3A_105], %parallel_loop3A_123 masked %parallel_loop3A_101 {add = true} : memref<8x1024xf32, #tpu.memory_space<vmem>>[vector<16xi32>, vector<16xi32>], vector<16xf32>, vector<16xi1>
      %parallel_loop3A_124 = arith.constant 6 : i32
      %parallel_loop3A_125 = vector.broadcast %parallel_loop3A_124 : i32 to vector<16xi32>
      %parallel_loop3A_126 = tpu.vector_load_idx %arg9[%parallel_loop3A_125, %parallel_loop3A_95] masked %parallel_loop3A_101 : memref<8x12544xf32, #tpu.memory_space<vmem>>[vector<16xi32>, vector<16xi32>], vector<16xf32>, vector<16xi1>
      tpu.vector_store_idx %arg10[%parallel_loop3A_125, %parallel_loop3A_105], %parallel_loop3A_126 masked %parallel_loop3A_101 {add = true} : memref<8x1024xf32, #tpu.memory_space<vmem>>[vector<16xi32>, vector<16xi32>], vector<16xf32>, vector<16xi1>
      %parallel_loop3A_127 = arith.constant 7 : i32
      %parallel_loop3A_128 = vector.broadcast %parallel_loop3A_127 : i32 to vector<16xi32>
      %parallel_loop3A_129 = tpu.vector_load_idx %arg9[%parallel_loop3A_128, %parallel_loop3A_95] masked %parallel_loop3A_101 : memref<8x12544xf32, #tpu.memory_space<vmem>>[vector<16xi32>, vector<16xi32>], vector<16xf32>, vector<16xi1>
      tpu.vector_store_idx %arg10[%parallel_loop3A_128, %parallel_loop3A_105], %parallel_loop3A_129 masked %parallel_loop3A_101 {add = true} : memref<8x1024xf32, #tpu.memory_space<vmem>>[vector<16xi32>, vector<16xi32>], vector<16xf32>, vector<16xi1>
    } {sc.loop_unroll_factor = 2 : i64, sc.parallel_access}
    %parallel_loop3A_73 = arith.constant 0 : i32
    %parallel_loop3A_74 = arith.constant 64 : i32
    %parallel_loop3A_75 = arith.constant 1 : i32
    scf.for %parallel_loop3A_89 = %parallel_loop3A_73 to %parallel_loop3A_74 step %parallel_loop3A_75  : i32 {
      %parallel_loop3A_90 = arith.constant 16 : i32
      %parallel_loop3A_91 = arith.muli %parallel_loop3A_89, %parallel_loop3A_90 : i32
      %parallel_loop3A_92 = arith.index_cast %parallel_loop3A_91 : i32 to index
      %parallel_loop3A_93 = tpu.vector_load %arg7[%parallel_loop3A_92] {strides = array<i32>} : memref<1024xi32, #tpu.memory_space<vmem>>, vector<16xi32>,
      %parallel_loop3A_94 = vector.broadcast %multiple_of3A_56 : i32 to vector<16xi32>
      %parallel_loop3A_95 = arith.subi %parallel_loop3A_93, %parallel_loop3A_94 : vector<16xi32>
      %parallel_loop3A_96 = arith.constant 0 : i32
      %parallel_loop3A_97 = vector.broadcast %parallel_loop3A_96 : i32 to vector<16xi32>
      %parallel_loop3A_98 = arith.cmpi sge, %parallel_loop3A_95, %parallel_loop3A_97 : vector<16xi32>
      %parallel_loop3A_99 = vector.broadcast %select_n3A_61 : i32 to vector<16xi32>
      %parallel_loop3A_100 = arith.cmpi slt, %parallel_loop3A_95, %parallel_loop3A_99 : vector<16xi32>
      %parallel_loop3A_101 = arith.andi %parallel_loop3A_98, %parallel_loop3A_100 : vector<16xi1>
      %parallel_loop3A_102 = arith.constant 16 : i32
      %parallel_loop3A_103 = arith.muli %parallel_loop3A_89, %parallel_loop3A_102 : i32
      %parallel_loop3A_104 = vector.broadcast %parallel_loop3A_103 : i32 to vector<16xi32>
      %parallel_loop3A_105 = arith.addi %parallel_loop3A_104, %iota3A : vector<16xi32>
      %parallel_loop3A_106 = arith.constant 16 : i32
      %parallel_loop3A_107 = arith.muli %parallel_loop3A_89, %parallel_loop3A_106 : i32
      %parallel_loop3A_108 = arith.index_cast %parallel_loop3A_107 : i32 to index
      %parallel_loop3A_109 = tpu.vector_load %arg8[%parallel_loop3A_108] {strides = array<i32>} : memref<1024xf32, #tpu.memory_space<vmem>>, vector<16xf32>,
      %parallel_loop3A_110 = arith.constant 0 : i32
      %parallel_loop3A_111 = vector.broadcast %parallel_loop3A_110 : i32 to vector<16xi32>
      %parallel_loop3A_112 = tpu.vector_load_idx %arg9[%parallel_loop3A_111, %parallel_loop3A_95] masked %parallel_loop3A_101 : memref<8x12544xf32, #tpu.memory_space<vmem>>[vector<16xi32>, vector<16xi32>], vector<16xf32>, vector<16xi1>
      %parallel_loop3A_113 = arith.mulf %parallel_loop3A_112, %parallel_loop3A_109 : vector<16xf32>
      tpu.vector_store_idx %arg10[%parallel_loop3A_111, %parallel_loop3A_105], %parallel_loop3A_113 masked %parallel_loop3A_101 {add = true} : memref<8x1024xf32, #tpu.memory_space<vmem>>[vector<16xi32>, vector<16xi32>], vector<16xf32>, vector<16xi1>
      %parallel_loop3A_114 = arith.constant 1 : i32
      %parallel_loop3A_115 = vector.broadcast %parallel_loop3A_114 : i32 to vector<16xi32>
      %parallel_loop3A_116 = tpu.vector_load_idx %arg9[%parallel_loop3A_115, %parallel_loop3A_95] masked %parallel_loop3A_101 : memref<8x12544xf32, #tpu.memory_space<vmem>>[vector<16xi32>, vector<16xi32>], vector<16xf32>, vector<16xi1>
      %parallel_loop3A_117 = arith.mulf %parallel_loop3A_116, %parallel_loop3A_109 : vector<16xf32>
      tpu.vector_store_idx %arg10[%parallel_loop3A_115, %parallel_loop3A_105], %parallel_loop3A_117 masked %parallel_loop3A_101 {add = true} : memref<8x1024xf32, #tpu.memory_space<vmem>>[vector<16xi32>, vector<16xi32>], vector<16xf32>, vector<16xi1>
      %parallel_loop3A_118 = arith.constant 2 : i32
      %parallel_loop3A_119 = vector.broadcast %parallel_loop3A_118 : i32 to vector<16xi32>
      %parallel_loop3A_120 = tpu.vector_load_idx %arg9[%parallel_loop3A_119, %parallel_loop3A_95] masked %parallel_loop3A_101 : memref<8x12544xf32, #tpu.memory_space<vmem>>[vector<16xi32>, vector<16xi32>], vector<16xf32>, vector<16xi1>
      %parallel_loop3A_121 = arith.mulf %parallel_loop3A_120, %parallel_loop3A_109 : vector<16xf32>
      tpu.vector_store_idx %arg10[%parallel_loop3A_119, %parallel_loop3A_105], %parallel_loop3A_121 masked %parallel_loop3A_101 {add = true} : memref<8x1024xf32, #tpu.memory_space<vmem>>[vector<16xi32>, vector<16xi32>], vector<16xf32>, vector<16xi1>
      %parallel_loop3A_122 = arith.constant 3 : i32
      %parallel_loop3A_123 = vector.broadcast %parallel_loop3A_122 : i32 to vector<16xi32>
      %parallel_loop3A_124 = tpu.vector_load_idx %arg9[%parallel_loop3A_123, %parallel_loop3A_95] masked %parallel_loop3A_101 : memref<8x12544xf32, #tpu.memory_space<vmem>>[vector<16xi32>, vector<16xi32>], vector<16xf32>, vector<16xi1>
      %parallel_loop3A_125 = arith.mulf %parallel_loop3A_124, %parallel_loop3A_109 : vector<16xf32>
      tpu.vector_store_idx %arg10[%parallel_loop3A_123, %parallel_loop3A_105], %parallel_loop3A_125 masked %parallel_loop3A_101 {add = true} : memref<8x1024xf32, #tpu.memory_space<vmem>>[vector<16xi32>, vector<16xi32>], vector<16xf32>, vector<16xi1>
      %parallel_loop3A_126 = arith.constant 4 : i32
      %parallel_loop3A_127 = vector.broadcast %parallel_loop3A_126 : i32 to vector<16xi32>
      %parallel_loop3A_128 = tpu.vector_load_idx %arg9[%parallel_loop3A_127, %parallel_loop3A_95] masked %parallel_loop3A_101 : memref<8x12544xf32, #tpu.memory_space<vmem>>[vector<16xi32>, vector<16xi32>], vector<16xf32>, vector<16xi1>
      %parallel_loop3A_129 = arith.mulf %parallel_loop3A_128, %parallel_loop3A_109 : vector<16xf32>
      tpu.vector_store_idx %arg10[%parallel_loop3A_127, %parallel_loop3A_105], %parallel_loop3A_129 masked %parallel_loop3A_101 {add = true} : memref<8x1024xf32, #tpu.memory_space<vmem>>[vector<16xi32>, vector<16xi32>], vector<16xf32>, vector<16xi1>
      %parallel_loop3A_130 = arith.constant 5 : i32
      %parallel_loop3A_131 = vector.broadcast %parallel_loop3A_130 : i32 to vector<16xi32>
      %parallel_loop3A_132 = tpu.vector_load_idx %arg9[%parallel_loop3A_131, %parallel_loop3A_95] masked %parallel_loop3A_101 : memref<8x12544xf32, #tpu.memory_space<vmem>>[vector<16xi32>, vector<16xi32>], vector<16xf32>, vector<16xi1>
      %parallel_loop3A_133 = arith.mulf %parallel_loop3A_132, %parallel_loop3A_109 : vector<16xf32>
      tpu.vector_store_idx %arg10[%parallel_loop3A_131, %parallel_loop3A_105], %parallel_loop3A_133 masked %parallel_loop3A_101 {add = true} : memref<8x1024xf32, #tpu.memory_space<vmem>>[vector<16xi32>, vector<16xi32>], vector<16xf32>, vector<16xi1>
      %parallel_loop3A_134 = arith.constant 6 : i32
      %parallel_loop3A_135 = vector.broadcast %parallel_loop3A_134 : i32 to vector<16xi32>
      %parallel_loop3A_136 = tpu.vector_load_idx %arg9[%parallel_loop3A_135, %parallel_loop3A_95] masked %parallel_loop3A_101 : memref<8x12544xf32, #tpu.memory_space<vmem>>[vector<16xi32>, vector<16xi32>], vector<16xf32>, vector<16xi1>
      %parallel_loop3A_137 = arith.mulf %parallel_loop3A_136, %parallel_loop3A_109 : vector<16xf32>
      tpu.vector_store_idx %arg10[%parallel_loop3A_135, %parallel_loop3A_105], %parallel_loop3A_137 masked %parallel_loop3A_101 {add = true} : memref<8x1024xf32, #tpu.memory_space<vmem>>[vector<16xi32>, vector<16xi32>], vector<16xf32>, vector<16xi1>
      %parallel_loop3A_138 = arith.constant 7 : i32
      %parallel_loop3A_139 = vector.broadcast %parallel_loop3A_138 : i32 to vector<16xi32>
      %parallel_loop3A_140 = tpu.vector_load_idx %arg9[%parallel_loop3A_139, %parallel_loop3A_95] masked %parallel_loop3A_101 : memref<8x12544xf32, #tpu.memory_space<vmem>>[vector<16xi32>, vector<16xi32>], vector<16xf32>, vector<16xi1>
      %parallel_loop3A_141 = arith.mulf %parallel_loop3A_140, %parallel_loop3A_109 : vector<16xf32>
      tpu.vector_store_idx %arg10[%parallel_loop3A_139, %parallel_loop3A_105], %parallel_loop3A_141 masked %parallel_loop3A_101 {add = true} : memref<8x1024xf32, #tpu.memory_space<vmem>>[vector<16xi32>, vector<16xi32>], vector<16xf32>, vector<16xi1>
    } {sc.loop_unroll_factor = 2 : i64, sc.parallel_access}
    %mul3A_76 = arith.constant 8 : i32
    %mul3A_77 = arith.muli %mul3A_76, %select_n3A_7 : i32
    "tpu.region"() ({
      %run_scoped3A_89 = tpu.sem_alloc : memref<!tpu.dma_semaphore, #tpu.memory_space<semaphore_mem>>
      %dma_start3A_90 = arith.constant 0 : i32
      %dma_start3A_91 = tpu.memref_slice %arg16[%select_n3A_28, %mul3A_77, %dma_start3A_90] : memref<4x32x1024xf32, #tpu.memory_space<vmem_shared>> -> memref<1x8x1024xf32, #tpu.memory_space<vmem_shared>>
      %dma_start3A_92 = tpu.memref_squeeze %dma_start3A_91 : memref<1x8x1024xf32, #tpu.memory_space<vmem_shared>> -> memref<8x1024xf32, #tpu.memory_space<vmem_shared>>
      %dma_start3A_93 = arith.constant 0 : i32
      %dma_start3A_94 = tpu.memref_slice %arg16[%select_n3A_28, %mul3A_77, %dma_start3A_93] : memref<4x32x1024xf32, #tpu.memory_space<vmem_shared>> -> memref<1x8x1024xf32, #tpu.memory_space<vmem_shared>>
      %dma_start3A_95 = tpu.memref_squeeze %dma_start3A_94 : memref<1x8x1024xf32, #tpu.memory_space<vmem_shared>> -> memref<8x1024xf32, #tpu.memory_space<vmem_shared>>
      tpu.enqueue_dma source(%arg10 : memref<8x1024xf32, #tpu.memory_space<vmem>>) target(%dma_start3A_95 : memref<8x1024xf32, #tpu.memory_space<vmem_shared>>) target_semaphore(%run_scoped3A_89 : memref<!tpu.dma_semaphore, #tpu.memory_space<semaphore_mem>>)
      %dma_wait3A_96 = arith.constant 0 : i32
      %dma_wait3A_97 = tpu.memref_slice %arg16[%select_n3A_28, %mul3A_77, %dma_wait3A_96] : memref<4x32x1024xf32, #tpu.memory_space<vmem_shared>> -> memref<1x8x1024xf32, #tpu.memory_space<vmem_shared>>
      %dma_wait3A_98 = tpu.memref_squeeze %dma_wait3A_97 : memref<1x8x1024xf32, #tpu.memory_space<vmem_shared>> -> memref<8x1024xf32, #tpu.memory_space<vmem_shared>>
      %dma_wait3A_99 = arith.constant 0 : i32
      %dma_wait3A_100 = tpu.memref_slice %arg16[%select_n3A_28, %mul3A_77, %dma_wait3A_99] : memref<4x32x1024xf32, #tpu.memory_space<vmem_shared>> -> memref<1x8x1024xf32, #tpu.memory_space<vmem_shared>>
      %dma_wait3A_101 = tpu.memref_squeeze %dma_wait3A_100 : memref<1x8x1024xf32, #tpu.memory_space<vmem_shared>> -> memref<8x1024xf32, #tpu.memory_space<vmem_shared>>
      tpu.wait_dma2 semaphore(%run_scoped3A_89 : memref<!tpu.dma_semaphore, #tpu.memory_space<semaphore_mem>>) src(%arg10 : memref<8x1024xf32, #tpu.memory_space<vmem>>) dst(%dma_wait3A_101 : memref<8x1024xf32, #tpu.memory_space<vmem_shared>>)
      tpu.yield
    }) : () -> ()
    %barrier3A = arith.constant 0 : index
    tpu.barrier barrier_id(%barrier3A)
    %mul3A_78 = arith.constant 2 : i32
    %mul3A_79 = arith.muli %mul3A_78, %arg1 : i32
    %run_scoped3A = arith.constant 0 : i32
    "tpu.region"() ({
      %run_scoped3A_89 = tpu.sem_alloc : memref<!tpu.dma_semaphore, #tpu.memory_space<semaphore_mem>>
      %dma_start3A_90 = arith.constant 0 : i32
      %dma_start3A_91 = tpu.memref_slice %arg16[%run_scoped3A, %mul3A_79, %dma_start3A_90] : memref<4x32x1024xf32, #tpu.memory_space<vmem_shared>> -> memref<1x2x1024xf32, #tpu.memory_space<vmem_shared>>
      %dma_start3A_92 = tpu.memref_squeeze %dma_start3A_91 : memref<1x2x1024xf32, #tpu.memory_space<vmem_shared>> -> memref<2x1024xf32, #tpu.memory_space<vmem_shared>>
      %dma_start3A_93 = arith.constant 0 : i32
      %dma_start3A_94 = tpu.memref_slice %arg16[%run_scoped3A, %mul3A_79, %dma_start3A_93] : memref<4x32x1024xf32, #tpu.memory_space<vmem_shared>> -> memref<1x2x1024xf32, #tpu.memory_space<vmem_shared>>
      %dma_start3A_95 = tpu.memref_squeeze %dma_start3A_94 : memref<1x2x1024xf32, #tpu.memory_space<vmem_shared>> -> memref<2x1024xf32, #tpu.memory_space<vmem_shared>>
      tpu.enqueue_dma source(%dma_start3A_95 : memref<2x1024xf32, #tpu.memory_space<vmem_shared>>) target(%arg11 : memref<2x1024xf32, #tpu.memory_space<vmem>>) target_semaphore(%run_scoped3A_89 : memref<!tpu.dma_semaphore, #tpu.memory_space<semaphore_mem>>)
      %dma_wait3A_96 = arith.constant 0 : i32
      %dma_wait3A_97 = tpu.memref_slice %arg16[%run_scoped3A, %mul3A_79, %dma_wait3A_96] : memref<4x32x1024xf32, #tpu.memory_space<vmem_shared>> -> memref<1x2x1024xf32, #tpu.memory_space<vmem_shared>>
      %dma_wait3A_98 = tpu.memref_squeeze %dma_wait3A_97 : memref<1x2x1024xf32, #tpu.memory_space<vmem_shared>> -> memref<2x1024xf32, #tpu.memory_space<vmem_shared>>
      %dma_wait3A_99 = arith.constant 0 : i32
      %dma_wait3A_100 = tpu.memref_slice %arg16[%run_scoped3A, %mul3A_79, %dma_wait3A_99] : memref<4x32x1024xf32, #tpu.memory_space<vmem_shared>> -> memref<1x2x1024xf32, #tpu.memory_space<vmem_shared>>
      %dma_wait3A_101 = tpu.memref_squeeze %dma_wait3A_100 : memref<1x2x1024xf32, #tpu.memory_space<vmem_shared>> -> memref<2x1024xf32, #tpu.memory_space<vmem_shared>>
      tpu.wait_dma2 semaphore(%run_scoped3A_89 : memref<!tpu.dma_semaphore, #tpu.memory_space<semaphore_mem>>) src(%dma_wait3A_101 : memref<2x1024xf32, #tpu.memory_space<vmem_shared>>) dst(%arg11 : memref<2x1024xf32, #tpu.memory_space<vmem>>)
      tpu.yield
    }) : () -> ()
    %run_scoped3A_80 = arith.constant 1 : i32
    "tpu.region"() ({
      %run_scoped3A_89 = tpu.sem_alloc : memref<!tpu.dma_semaphore, #tpu.memory_space<semaphore_mem>>
      %dma_start3A_90 = arith.constant 0 : i32
      %dma_start3A_91 = tpu.memref_slice %arg16[%run_scoped3A_80, %mul3A_79, %dma_start3A_90] : memref<4x32x1024xf32, #tpu.memory_space<vmem_shared>> -> memref<1x2x1024xf32, #tpu.memory_space<vmem_shared>>
      %dma_start3A_92 = tpu.memref_squeeze %dma_start3A_91 : memref<1x2x1024xf32, #tpu.memory_space<vmem_shared>> -> memref<2x1024xf32, #tpu.memory_space<vmem_shared>>
      %dma_start3A_93 = arith.constant 0 : i32
      %dma_start3A_94 = tpu.memref_slice %arg16[%run_scoped3A_80, %mul3A_79, %dma_start3A_93] : memref<4x32x1024xf32, #tpu.memory_space<vmem_shared>> -> memref<1x2x1024xf32, #tpu.memory_space<vmem_shared>>
      %dma_start3A_95 = tpu.memref_squeeze %dma_start3A_94 : memref<1x2x1024xf32, #tpu.memory_space<vmem_shared>> -> memref<2x1024xf32, #tpu.memory_space<vmem_shared>>
      tpu.enqueue_dma source(%dma_start3A_95 : memref<2x1024xf32, #tpu.memory_space<vmem_shared>>) target(%arg12 : memref<2x1024xf32, #tpu.memory_space<vmem>>) target_semaphore(%run_scoped3A_89 : memref<!tpu.dma_semaphore, #tpu.memory_space<semaphore_mem>>)
      %dma_wait3A_96 = arith.constant 0 : i32
      %dma_wait3A_97 = tpu.memref_slice %arg16[%run_scoped3A_80, %mul3A_79, %dma_wait3A_96] : memref<4x32x1024xf32, #tpu.memory_space<vmem_shared>> -> memref<1x2x1024xf32, #tpu.memory_space<vmem_shared>>
      %dma_wait3A_98 = tpu.memref_squeeze %dma_wait3A_97 : memref<1x2x1024xf32, #tpu.memory_space<vmem_shared>> -> memref<2x1024xf32, #tpu.memory_space<vmem_shared>>
      %dma_wait3A_99 = arith.constant 0 : i32
      %dma_wait3A_100 = tpu.memref_slice %arg16[%run_scoped3A_80, %mul3A_79, %dma_wait3A_99] : memref<4x32x1024xf32, #tpu.memory_space<vmem_shared>> -> memref<1x2x1024xf32, #tpu.memory_space<vmem_shared>>
      %dma_wait3A_101 = tpu.memref_squeeze %dma_wait3A_100 : memref<1x2x1024xf32, #tpu.memory_space<vmem_shared>> -> memref<2x1024xf32, #tpu.memory_space<vmem_shared>>
      tpu.wait_dma2 semaphore(%run_scoped3A_89 : memref<!tpu.dma_semaphore, #tpu.memory_space<semaphore_mem>>) src(%dma_wait3A_101 : memref<2x1024xf32, #tpu.memory_space<vmem_shared>>) dst(%arg12 : memref<2x1024xf32, #tpu.memory_space<vmem>>)
      tpu.yield
    }) : () -> ()
    %run_scoped3A_81 = arith.constant 2 : i32
    "tpu.region"() ({
      %run_scoped3A_89 = tpu.sem_alloc : memref<!tpu.dma_semaphore, #tpu.memory_space<semaphore_mem>>
      %dma_start3A_90 = arith.constant 0 : i32
      %dma_start3A_91 = tpu.memref_slice %arg16[%run_scoped3A_81, %mul3A_79, %dma_start3A_90] : memref<4x32x1024xf32, #tpu.memory_space<vmem_shared>> -> memref<1x2x1024xf32, #tpu.memory_space<vmem_shared>>
      %dma_start3A_92 = tpu.memref_squeeze %dma_start3A_91 : memref<1x2x1024xf32, #tpu.memory_space<vmem_shared>> -> memref<2x1024xf32, #tpu.memory_space<vmem_shared>>
      %dma_start3A_93 = arith.constant 0 : i32
      %dma_start3A_94 = tpu.memref_slice %arg16[%run_scoped3A_81, %mul3A_79, %dma_start3A_93] : memref<4x32x1024xf32, #tpu.memory_space<vmem_shared>> -> memref<1x2x1024xf32, #tpu.memory_space<vmem_shared>>
      %dma_start3A_95 = tpu.memref_squeeze %dma_start3A_94 : memref<1x2x1024xf32, #tpu.memory_space<vmem_shared>> -> memref<2x1024xf32, #tpu.memory_space<vmem_shared>>
      tpu.enqueue_dma source(%dma_start3A_95 : memref<2x1024xf32, #tpu.memory_space<vmem_shared>>) target(%arg13 : memref<2x1024xf32, #tpu.memory_space<vmem>>) target_semaphore(%run_scoped3A_89 : memref<!tpu.dma_semaphore, #tpu.memory_space<semaphore_mem>>)
      %dma_wait3A_96 = arith.constant 0 : i32
      %dma_wait3A_97 = tpu.memref_slice %arg16[%run_scoped3A_81, %mul3A_79, %dma_wait3A_96] : memref<4x32x1024xf32, #tpu.memory_space<vmem_shared>> -> memref<1x2x1024xf32, #tpu.memory_space<vmem_shared>>
      %dma_wait3A_98 = tpu.memref_squeeze %dma_wait3A_97 : memref<1x2x1024xf32, #tpu.memory_space<vmem_shared>> -> memref<2x1024xf32, #tpu.memory_space<vmem_shared>>
      %dma_wait3A_99 = arith.constant 0 : i32
      %dma_wait3A_100 = tpu.memref_slice %arg16[%run_scoped3A_81, %mul3A_79, %dma_wait3A_99] : memref<4x32x1024xf32, #tpu.memory_space<vmem_shared>> -> memref<1x2x1024xf32, #tpu.memory_space<vmem_shared>>
      %dma_wait3A_101 = tpu.memref_squeeze %dma_wait3A_100 : memref<1x2x1024xf32, #tpu.memory_space<vmem_shared>> -> memref<2x1024xf32, #tpu.memory_space<vmem_shared>>
      tpu.wait_dma2 semaphore(%run_scoped3A_89 : memref<!tpu.dma_semaphore, #tpu.memory_space<semaphore_mem>>) src(%dma_wait3A_101 : memref<2x1024xf32, #tpu.memory_space<vmem_shared>>) dst(%arg13 : memref<2x1024xf32, #tpu.memory_space<vmem>>)
      tpu.yield
    }) : () -> ()
    %run_scoped3A_82 = arith.constant 3 : i32
    "tpu.region"() ({
      %run_scoped3A_89 = tpu.sem_alloc : memref<!tpu.dma_semaphore, #tpu.memory_space<semaphore_mem>>
      %dma_start3A_90 = arith.constant 0 : i32
      %dma_start3A_91 = tpu.memref_slice %arg16[%run_scoped3A_82, %mul3A_79, %dma_start3A_90] : memref<4x32x1024xf32, #tpu.memory_space<vmem_shared>> -> memref<1x2x1024xf32, #tpu.memory_space<vmem_shared>>
      %dma_start3A_92 = tpu.memref_squeeze %dma_start3A_91 : memref<1x2x1024xf32, #tpu.memory_space<vmem_shared>> -> memref<2x1024xf32, #tpu.memory_space<vmem_shared>>
      %dma_start3A_93 = arith.constant 0 : i32
      %dma_start3A_94 = tpu.memref_slice %arg16[%run_scoped3A_82, %mul3A_79, %dma_start3A_93] : memref<4x32x1024xf32, #tpu.memory_space<vmem_shared>> -> memref<1x2x1024xf32, #tpu.memory_space<vmem_shared>>
      %dma_start3A_95 = tpu.memref_squeeze %dma_start3A_94 : memref<1x2x1024xf32, #tpu.memory_space<vmem_shared>> -> memref<2x1024xf32, #tpu.memory_space<vmem_shared>>
      tpu.enqueue_dma source(%dma_start3A_95 : memref<2x1024xf32, #tpu.memory_space<vmem_shared>>) target(%arg14 : memref<2x1024xf32, #tpu.memory_space<vmem>>) target_semaphore(%run_scoped3A_89 : memref<!tpu.dma_semaphore, #tpu.memory_space<semaphore_mem>>)
      %dma_wait3A_96 = arith.constant 0 : i32
      %dma_wait3A_97 = tpu.memref_slice %arg16[%run_scoped3A_82, %mul3A_79, %dma_wait3A_96] : memref<4x32x1024xf32, #tpu.memory_space<vmem_shared>> -> memref<1x2x1024xf32, #tpu.memory_space<vmem_shared>>
      %dma_wait3A_98 = tpu.memref_squeeze %dma_wait3A_97 : memref<1x2x1024xf32, #tpu.memory_space<vmem_shared>> -> memref<2x1024xf32, #tpu.memory_space<vmem_shared>>
      %dma_wait3A_99 = arith.constant 0 : i32
      %dma_wait3A_100 = tpu.memref_slice %arg16[%run_scoped3A_82, %mul3A_79, %dma_wait3A_99] : memref<4x32x1024xf32, #tpu.memory_space<vmem_shared>> -> memref<1x2x1024xf32, #tpu.memory_space<vmem_shared>>
      %dma_wait3A_101 = tpu.memref_squeeze %dma_wait3A_100 : memref<1x2x1024xf32, #tpu.memory_space<vmem_shared>> -> memref<2x1024xf32, #tpu.memory_space<vmem_shared>>
      tpu.wait_dma2 semaphore(%run_scoped3A_89 : memref<!tpu.dma_semaphore, #tpu.memory_space<semaphore_mem>>) src(%dma_wait3A_101 : memref<2x1024xf32, #tpu.memory_space<vmem_shared>>) dst(%arg14 : memref<2x1024xf32, #tpu.memory_space<vmem>>)
      tpu.yield
    }) : () -> ()
    %parallel_loop3A_83 = arith.constant 0 : i32
    %parallel_loop3A_84 = arith.constant 64 : i32
    %parallel_loop3A_85 = arith.constant 1 : i32
    scf.for %parallel_loop3A_89 = %parallel_loop3A_83 to %parallel_loop3A_84 step %parallel_loop3A_85  : i32 {
      %parallel_loop3A_90 = arith.constant 16 : i32
      %parallel_loop3A_91 = arith.muli %parallel_loop3A_89, %parallel_loop3A_90 : i32
      %parallel_loop3A_92 = arith.constant 0 : i32
      %parallel_loop3A_93 = arith.index_cast %parallel_loop3A_92 : i32 to index
      %parallel_loop3A_94 = arith.index_cast %parallel_loop3A_91 : i32 to index
      %parallel_loop3A_95 = tpu.vector_load %arg11[%parallel_loop3A_93, %parallel_loop3A_94] {strides = array<i32>} : memref<2x1024xf32, #tpu.memory_space<vmem>>, vector<16xf32>,
      %parallel_loop3A_96 = arith.constant 0 : i32
      %parallel_loop3A_97 = arith.index_cast %parallel_loop3A_96 : i32 to index
      %parallel_loop3A_98 = arith.index_cast %parallel_loop3A_91 : i32 to index
      %parallel_loop3A_99 = tpu.vector_load %arg12[%parallel_loop3A_97, %parallel_loop3A_98] {strides = array<i32>} : memref<2x1024xf32, #tpu.memory_space<vmem>>, vector<16xf32>,
      %parallel_loop3A_100 = arith.addf %parallel_loop3A_95, %parallel_loop3A_99 : vector<16xf32>
      %parallel_loop3A_101 = arith.constant 0 : i32
      %parallel_loop3A_102 = arith.index_cast %parallel_loop3A_101 : i32 to index
      %parallel_loop3A_103 = arith.index_cast %parallel_loop3A_91 : i32 to index
      %parallel_loop3A_104 = tpu.vector_load %arg13[%parallel_loop3A_102, %parallel_loop3A_103] {strides = array<i32>} : memref<2x1024xf32, #tpu.memory_space<vmem>>, vector<16xf32>,
      %parallel_loop3A_105 = arith.constant 0 : i32
      %parallel_loop3A_106 = arith.index_cast %parallel_loop3A_105 : i32 to index
      %parallel_loop3A_107 = arith.index_cast %parallel_loop3A_91 : i32 to index
      %parallel_loop3A_108 = tpu.vector_load %arg14[%parallel_loop3A_106, %parallel_loop3A_107] {strides = array<i32>} : memref<2x1024xf32, #tpu.memory_space<vmem>>, vector<16xf32>,
      %parallel_loop3A_109 = arith.addf %parallel_loop3A_104, %parallel_loop3A_108 : vector<16xf32>
      %parallel_loop3A_110 = arith.addf %parallel_loop3A_100, %parallel_loop3A_109 : vector<16xf32>
      %parallel_loop3A_111 = arith.constant 0 : i32
      %parallel_loop3A_112 = arith.index_cast %parallel_loop3A_111 : i32 to index
      %parallel_loop3A_113 = arith.index_cast %parallel_loop3A_91 : i32 to index
      %parallel_loop3A_114 = tpu.vector_load %arg15[%parallel_loop3A_112, %parallel_loop3A_113] {strides = array<i32>} : memref<2x1024xf32, #tpu.memory_space<vmem>>, vector<16xf32>,
      tpu.vector_store %arg15[%parallel_loop3A_112, %parallel_loop3A_113], %parallel_loop3A_110 {strides = array<i32>} : memref<2x1024xf32, #tpu.memory_space<vmem>>, vector<16xf32>,
      %parallel_loop3A_115 = arith.constant 16 : i32
      %parallel_loop3A_116 = arith.muli %parallel_loop3A_89, %parallel_loop3A_115 : i32
      %parallel_loop3A_117 = arith.constant 1 : i32
      %parallel_loop3A_118 = arith.index_cast %parallel_loop3A_117 : i32 to index
      %parallel_loop3A_119 = arith.index_cast %parallel_loop3A_116 : i32 to index
      %parallel_loop3A_120 = tpu.vector_load %arg11[%parallel_loop3A_118, %parallel_loop3A_119] {strides = array<i32>} : memref<2x1024xf32, #tpu.memory_space<vmem>>, vector<16xf32>,
      %parallel_loop3A_121 = arith.constant 1 : i32
      %parallel_loop3A_122 = arith.index_cast %parallel_loop3A_121 : i32 to index
      %parallel_loop3A_123 = arith.index_cast %parallel_loop3A_116 : i32 to index
      %parallel_loop3A_124 = tpu.vector_load %arg12[%parallel_loop3A_122, %parallel_loop3A_123] {strides = array<i32>} : memref<2x1024xf32, #tpu.memory_space<vmem>>, vector<16xf32>,
      %parallel_loop3A_125 = arith.addf %parallel_loop3A_120, %parallel_loop3A_124 : vector<16xf32>
      %parallel_loop3A_126 = arith.constant 1 : i32
      %parallel_loop3A_127 = arith.index_cast %parallel_loop3A_126 : i32 to index
      %parallel_loop3A_128 = arith.index_cast %parallel_loop3A_116 : i32 to index
      %parallel_loop3A_129 = tpu.vector_load %arg13[%parallel_loop3A_127, %parallel_loop3A_128] {strides = array<i32>} : memref<2x1024xf32, #tpu.memory_space<vmem>>, vector<16xf32>,
      %parallel_loop3A_130 = arith.constant 1 : i32
      %parallel_loop3A_131 = arith.index_cast %parallel_loop3A_130 : i32 to index
      %parallel_loop3A_132 = arith.index_cast %parallel_loop3A_116 : i32 to index
      %parallel_loop3A_133 = tpu.vector_load %arg14[%parallel_loop3A_131, %parallel_loop3A_132] {strides = array<i32>} : memref<2x1024xf32, #tpu.memory_space<vmem>>, vector<16xf32>,
      %parallel_loop3A_134 = arith.addf %parallel_loop3A_129, %parallel_loop3A_133 : vector<16xf32>
      %parallel_loop3A_135 = arith.addf %parallel_loop3A_125, %parallel_loop3A_134 : vector<16xf32>
      %parallel_loop3A_136 = arith.constant 1 : i32
      %parallel_loop3A_137 = arith.index_cast %parallel_loop3A_136 : i32 to index
      %parallel_loop3A_138 = arith.index_cast %parallel_loop3A_116 : i32 to index
      %parallel_loop3A_139 = tpu.vector_load %arg15[%parallel_loop3A_137, %parallel_loop3A_138] {strides = array<i32>} : memref<2x1024xf32, #tpu.memory_space<vmem>>, vector<16xf32>,
      tpu.vector_store %arg15[%parallel_loop3A_137, %parallel_loop3A_138], %parallel_loop3A_135 {strides = array<i32>} : memref<2x1024xf32, #tpu.memory_space<vmem>>, vector<16xf32>,
    } {sc.loop_unroll_factor = 2 : i64, sc.parallel_access}
    %mul3A_86 = arith.constant 32 : i32
    %mul3A_87 = arith.muli %mul3A_86, %arg0 : i32
    %add3A_88 = arith.addi %mul3A_87, %mul3A_79 : i32
    "tpu.region"() ({
      %run_scoped3A_89 = tpu.sem_alloc : memref<!tpu.dma_semaphore, #tpu.memory_space<semaphore_mem>>
      %dma_start3A_90 = arith.constant 0 : i32
      %dma_start3A_91 = tpu.memref_slice %arg5[%add3A_88, %dma_start3A_90] : memref<64x1024xf32, #tpu.memory_space<hbm>> -> memref<2x1024xf32, #tpu.memory_space<hbm>>
      %dma_start3A_92 = arith.constant 0 : i32
      %dma_start3A_93 = tpu.memref_slice %arg5[%add3A_88, %dma_start3A_92] : memref<64x1024xf32, #tpu.memory_space<hbm>> -> memref<2x1024xf32, #tpu.memory_space<hbm>>
      tpu.enqueue_dma source(%arg15 : memref<2x1024xf32, #tpu.memory_space<vmem>>) target(%dma_start3A_93 : memref<2x1024xf32, #tpu.memory_space<hbm>>) target_semaphore(%run_scoped3A_89 : memref<!tpu.dma_semaphore, #tpu.memory_space<semaphore_mem>>)
      %dma_wait3A_94 = arith.constant 0 : i32
      %dma_wait3A_95 = tpu.memref_slice %arg5[%add3A_88, %dma_wait3A_94] : memref<64x1024xf32, #tpu.memory_space<hbm>> -> memref<2x1024xf32, #tpu.memory_space<hbm>>
      %dma_wait3A_96 = arith.constant 0 : i32
      %dma_wait3A_97 = tpu.memref_slice %arg5[%add3A_88, %dma_wait3A_96] : memref<64x1024xf32, #tpu.memory_space<hbm>> -> memref<2x1024xf32, #tpu.memory_space<hbm>>
      tpu.wait_dma2 semaphore(%run_scoped3A_89 : memref<!tpu.dma_semaphore, #tpu.memory_space<semaphore_mem>>) src(%arg15 : memref<2x1024xf32, #tpu.memory_space<vmem>>) dst(%dma_wait3A_97 : memref<2x1024xf32, #tpu.memory_space<hbm>>)
      tpu.yield
    }) : () -> ()
    return
  }
}

</mosaic_0001>

<sc_bundles>
// kernel: kernel.3.cloned.1.call-start
scs
__scs_entry_jumppad:
0x0: {  	(pc) =	sbr.rel $0x88, $3  }
0x1: {  	(tag) =	ssettag $0x0;
	lr =	simm.s32 $0x1  }
0x2: {  	[smem:$0x3F9E] =	sst lr;
	_ =	strace $0xD0000000  }
0x3: {  	_ = 	snop  }
0x4: {  	_ = 	snop  }
0x5: {  	_ = 	snop  }
0x6: {  	_ = 	snop  }
0x7: {  	_ = 	snop  }
__scs_overlays_trampoline_lowered:
0x8: {  	[smem:$0x3FAD] =	sst s0  }
0x9: {  	[smem:$0x3FAE] =	sst s1  }
0xa: {  	[smem:$0x3FAF] =	sst s2  }
0xb: {  	[smem:$0x3FB0] =	sst s3  }
0xc: {  	[smem:$0x3FB1] =	sst s4  }
0xd: {  	[smem:$0x3FB2] =	sst s5  }
0xe: {  	[smem:$0x3FB3] =	sst s6  }
0xf: {  	[smem:$0x3FB4] =	sst s7  }
0x10: {  	[smem:$0x3FB5] =	sst s8  }
0x11: {  	[smem:$0x3FB6] =	sst s9;
	s0 =	simm.s32 @!p0 $0x0  }
0x12: {  	s1 =	sld [smem:$0x3F9C];
	s0 =	simm.s32 @p0 $0x1  }
0x13: {  	[smem:$0x3FB7] =	sst s0;
	s0 =	simm.s32 @!p1 $0x0  }
0x14: {  	s2 =	sld [smem:$0x3F9B];
	s0 =	simm.s32 @p1 $0x1  }
0x15: {  	[smem:$0x3FB8] =	sst s0;
	s0 =	simm.s32 @!p2 $0x0  }
0x16: {  	s3 =	sld [smem:$0x3FDB];
	s0 =	simm.s32 @p2 $0x1  }
0x17: {  	s4 =	simm.s32 $0x1BF5;
	[smem:$0x3FBA] =	sst s0  }
0x18: {  	s0 =	sld [smem:$0x3F9D];
	_ =	swait.ge [sflag:s4], $0x0  }
0x19: {  	s7 =	sld [smem:$0x3F9E]  }
0x1a: {  	s8 =	sadd.s32 $0xFFFFE003, lr  }
0x1b: {  	s9 =	sadd.s32 $0xFFFFFEF7, lr;
	s5 =	simm.s32 $0xFFFFFFFF;
	p2 =	slt.u32 s8, $0xFFFFF086  }
0x1c: {  	p1 =	slt.u32 s9, $0xF7A;
	s5 =	simm.s32 @!p2 $0x0  }
0x1d: {  	s5 =	simm.s32 @p1 $0x1;
	p0 =	seq.s32 s7, s2  }
0x1e: {  	s7 =	smul.u32 @!p0 $0xF7A, s2;
	p2 =	seq.s32 @!p0 s5, $0x0  }
0x1f: {  	s9 =	smul.u32 $0xF7A, s1;
	s8 =	simm.s32 @!p0 $0x1BF5;
	p2 =	por !p2, p0  }
0x20: {  	[sflag:s8] =	ssyncset.s32 @!p0 $0xFFFFF086;
	s6 =	sadd.s32 @!p0 s3, s7;
	s7 =	simm.s32 @!p0 $0x108  }
0x21: {  	s3 =	sadd.s32 s3, s9;
	s6 =	sadd.s32 @!p0 $0x88, s6;
	s7 =	simm.s32 @p2 $0x1082  }
0x22: {  	[simem:s7], [sflag:s8] =	dma.local @!p0 [hbm:s6], $0xF7A  }
0x23: {  	s9 =	sor.u32 $0xD0000000, s2;
	s6 =	simm.s32 $0x108;
	_ =	swait.ge @!p0 [sflag:s8], $0x0  }
0x24: {  	s3 =	sadd.s32 $0x88, s3;
	s6 =	simm.s32 @!p1 $0x1082;
	[sflag:s4] =	ssyncset.s32 $0xFFFFF086  }
0x25: {  	[simem:s6], [sflag:s4] =	dma.local [hbm:s3], $0xF7A  }
0x26: {  	[smem:$0x3F9E] =	sst s1;
	(tag) =	ssettag s2;
	_ =	strace s9  }
0x27: {  	s1 =	sld [smem:$0x3FAE]  }
0x28: {  	s2 =	sld [smem:$0x3FAF]  }
0x29: {  	s4 =	sld [smem:$0x3FB1]  }
0x2a: {  	p0 =	seq.s32 s5, $0x0;
	s5 =	sld [smem:$0x3FB2]  }
0x2b: {  	s6 =	sld [smem:$0x3FB3]  }
0x2c: {  	s7 =	sld [smem:$0x3FB4]  }
0x2d: {  	s3 =	simm.s32 $0x108;
	s8 =	sld [smem:$0x3FB5]  }
0x2e: {  	s3 =	simm.s32 @!p0 $0x1082;
	s9 =	sld [smem:$0x3FB6]  }
0x2f: {  	lr =	sadd.s32 s0, s3;
	s0 =	sld [smem:$0x3FAD]  }
0x30: {  	s3 =	sld [smem:$0x3FB0]  }
0x31: {  	[smem:$0x3FB9] =	sst s10  }
0x32: {  	s10 =	sld [smem:$0x3FB7];
	_ =	sdelay $0x3  }
0x33: {  	p0 =	seq.s32 s10, $0x1;
	s10 =	sld [smem:$0x3FB9];
	_ =	sdelay $0x3  }
0x34: {  	[smem:$0x3FB9] =	sst s10  }
0x35: {  	s10 =	sld [smem:$0x3FB8];
	_ =	sdelay $0x3  }
0x36: {  	p1 =	seq.s32 s10, $0x1;
	s10 =	sld [smem:$0x3FB9];
	_ =	sdelay $0x3  }
0x37: {  	[smem:$0x3FB9] =	sst s10  }
0x38: {  	s10 =	sld [smem:$0x3FBA]  }
0x39: {  	_ = 	snop;
	(pc) =	sbr.ind lr, $3  }
0x3a: {  	_ = 	snop  }
0x3b: {  	_ = 	snop  }
0x3c: {  	p2 =	seq.s32 s10, $0x1;
	s10 =	sld [smem:$0x3FB9]  }
0x3d: {  	_ =	shalt  }
0x3e: {  	_ =	shalt  }
0x3f: {  	_ =	shalt  }
0x40: {  	_ =	shalt  }
0x41: {  	_ =	shalt  }
0x42: {  	_ =	shalt  }
0x43: {  	_ =	shalt  }
0x44: {  	_ =	shalt  }
0x45: {  	_ =	shalt  }
0x46: {  	_ =	shalt  }
0x47: {  	_ =	shalt  }
0x48: {  	_ =	shalt  }
0x49: {  	_ =	shalt  }
0x4a: {  	_ =	shalt  }
0x4b: {  	_ =	shalt  }
0x4c: {  	_ =	shalt  }
0x4d: {  	_ =	shalt  }
0x4e: {  	_ =	shalt  }
0x4f: {  	_ =	shalt  }
0x50: {  	_ =	shalt  }
0x51: {  	_ =	shalt  }
0x52: {  	_ =	shalt  }
0x53: {  	_ =	shalt  }
0x54: {  	_ =	shalt  }
0x55: {  	_ =	shalt  }
0x56: {  	_ =	shalt  }
0x57: {  	_ =	shalt  }
0x58: {  	_ =	shalt  }
0x59: {  	_ =	shalt  }
0x5a: {  	_ =	shalt  }
0x5b: {  	_ =	shalt  }
0x5c: {  	_ =	shalt  }
0x5d: {  	_ =	shalt  }
0x5e: {  	_ =	shalt  }
0x5f: {  	_ =	shalt  }
0x60: {  	_ =	shalt  }
0x61: {  	_ =	shalt  }
0x62: {  	_ =	shalt  }
0x63: {  	_ =	shalt  }
0x64: {  	_ =	shalt  }
0x65: {  	_ =	shalt  }
0x66: {  	_ =	shalt  }
0x67: {  	_ =	shalt  }
0x68: {  	_ =	shalt  }
0x69: {  	_ =	shalt  }
0x6a: {  	_ =	shalt  }
0x6b: {  	_ =	shalt  }
0x6c: {  	_ =	shalt  }
0x6d: {  	_ =	shalt  }
0x6e: {  	_ =	shalt  }
0x6f: {  	_ =	shalt  }
0x70: {  	_ =	shalt  }
0x71: {  	_ =	shalt  }
0x72: {  	_ =	shalt  }
0x73: {  	_ =	shalt  }
0x74: {  	_ =	shalt  }
0x75: {  	_ =	shalt  }
0x76: {  	_ =	shalt  }
0x77: {  	_ =	shalt  }
0x78: {  	_ =	shalt  }
0x79: {  	_ =	shalt  }
0x7a: {  	_ =	shalt  }
0x7b: {  	_ =	shalt  }
0x7c: {  	_ =	shalt  }
0x7d: {  	_ =	shalt  }
0x7e: {  	_ =	shalt  }
0x7f: {  	_ =	shalt  }
0x80: {  	_ =	shalt  }
0x81: {  	_ =	shalt  }
0x82: {  	_ =	shalt  }
0x83: {  	_ =	shalt  }
0x84: {  	_ =	shalt  }
0x85: {  	_ =	shalt  }
0x86: {  	_ =	shalt  }
0x87: {  	_ =	shalt  }
.Lfunc_end0:
.L_simem_size_0:
called_computation_lowered:
.L_overlay_start_0:
0x88: {  	s2 =	sld [smem:$0x3FD9]  }
0x89: {  	s3 =	sld [smem:$0x3FFE];
	_ =	sdelay $0x1  }
0x8a: {  	s1 =	srdreg.scid  }
0x8b: {  	s0 =	sand.u32 $0x1, s1  }
0x8c: {  	s18 =	sshll.u32 s0, $0xA;
	s2 =	sadd.s32 s3, s2  }
0x8d: {  	s2 =	sadd.s32 s2, s18  }
0x8e: {  	[smem:$0x3FC5] =	sst s2  }
0x8f: {  	_ = 	snop  }
0x90: {  	s2 =	sld [smem:$0x3FC9]  }
0x91: {  	s19 =	sld [smem:$0x3FC8]  }
0x92: {  	s4 =	sld [smem:$0x3FC7]  }
0x93: {  	s5 =	sld [smem:$0x3FD0];
	(tm) =	ssettm $0x1  }
0x94: {  	s6 =	sld [smem:$0x3FFB];
	_ =	sdelay $0x3  }
0x95: {  	_ =	strace s6  }
0x96: {  	s6 =	sld [smem:$0x3FFC];
	_ =	sdelay $0x3  }
0x97: {  	_ =	strace s6  }
0x98: {  	s6 =	sld [smem:$0x3FFD];
	_ =	sdelay $0x3  }
0x99: {  	_ =	strace s6  }
0x9a: {  	_ =	strace $0x8FFFFFFF  }
0x9b: {  	s20 =	sld [smem:$0x3FDB];
	_ =	sdelay $0x1  }
0x9c: {  	s7 =	simm.s32 $_scs_section_size  }
0x9d: {  	s8 =	simm.s32 $_size__tile_overlayer_lowered;
	s9 =	simm.s32 $_tile_overlayer_lowered  }
0x9e: {  	s23 =	simm.s32 $0x1BFF;
	s22 =	sshll.u32 s9, $0x1;
	s6 =	sadd.s32 s7, s20  }
0x9f: {  	s10 =	simm.s32 $0x0;
	s21 =	sshll.u32 s8, $0x1;
	s8 =	sadd.s32 s22, s6  }
0xa0: {  	[timem:s10], [sflag:s23] =	dma.local [hbm:s8], s21  }
0xa1: {  	_ =	swait.ge [sflag:s23], s21  }
0xa2: {  	s7 =	ssub.s32 $0x0, s21;
	[sflag:s23] =	ssyncset.done $0x0  }
0xa3: {  	[sflag:s23] =	ssyncadd.s32 s7;
	_ =	sdelay $0x1  }
0xa4: {  	s24 =	simm.s32 $0x1B8B  }
0xa5: {  	_ =	swait.ge [sflag:s24], $0x1  }
0xa6: {  	[sflag:s24] =	ssyncset.done $0x0  }
0xa7: {  	s25 =	simm.s32 $0x1B8E;
	[sflag:s24] =	ssyncadd.s32 $0xFFFFFFFF  }
0xa8: {  	s26 =	simm.s32 $execute0_lowered;
	[smem:$0x3FD2] =	sst s25  }
0xa9: {  	s7 =	sshll.u32 s26, $0x1;
	_ =	strace $0x80000046;
	[dreg:$0x1] =	wrdreg $0xFFFFFFFF  }
0xaa: {  	s28 =	simm.s32 $_size_execute0_lowered;
	s6 =	sadd.s32 s6, s7;
	[dreg:$0x0] =	wrdreg $0x0  }
0xab: {  	s7 =	sshll.u32 s28, $0x1;
	[dreg:$0x2] =	wrdreg s6  }
0xac: {  	[dreg:$0x3] =	wrdreg s7  }
0xad: {  	[dreg:$0x4] =	wrdreg $0xC0  }
0xae: {  	_ =	task [dreg:s10], $0x5FFFF  }
0xaf: {  	[dreg:$0x1] =	wrdreg $0xFFFFFFFF  }
0xb0: {  	[dreg:$0x0] =	wrdreg $0x60  }
0xb1: {  	[dreg:$0x2] =	wrdreg s2  }
0xb2: {  	[dreg:$0x3] =	wrdreg s19  }
0xb3: {  	[dreg:$0x4] =	wrdreg s4  }
0xb4: {  	[dreg:$0x5] =	wrdreg s5  }
0xb5: {  	[dreg:$0x6] =	wrdreg $0x1DC000  }
0xb6: {  	[dreg:$0x7] =	wrdreg $0x9  }
0xb7: {  	_ =	task.clear_ibuf [dreg:s10], $0x8FFFF;
	_ =	strace $0x90000046  }
0xb8: {  	s29 =	simm.s32 $0x9;
	_ =	strace $0x80000048  }
0xb9: {  	_ =	swait.ge [sflag:s29], $0x1  }
0xba: {  	[sflag:s29] =	ssyncadd.s32 $0xFFFFFFFF  }
0xbb: {  	_ =	strace $0x90000048  }
0xbc: {  	_ =	sfence  }
0xbd: {  	s30 =	sld [smem:$0x0];
	_ =	sdelay $0x2  }
0xbe: {  	s31 =	sshll.u32 s1, $0xD;
	s1 =	sshrl.u32 s1, $0x2  }
0xbf: {  	s3 =	sand.u32 $0x4000, s31;
	s1 =	sadd.s32 s1, s30  }
0xc0: {  	s0 =	sor.u32 s3, s0;
	s1 =	sshll.u32 s1, $0x11  }
0xc1: {  	s0 =	sor.u32 s1, s0  }
0xc2: {  	s0 =	sadd.s32 $0x8F2B, s0  }
0xc3: {  	[sflag:s0] =	ssyncadd.remote.s32 $0x1  }
0xc4: {  	_ =	sfence.sel $0xFFFF  }
0xc5: {  	[dreg:$0x0] =	wrdreg $0xFFFFFFFF;
	(pc) =	sbr.abs _section_cstart, $3  }
0xc6: {  	[dreg:$0x1] =	wrdreg $0xFFFFFFFF  }
0xc7: {  	_ =	task.clear_ibuf [dreg:s10], $0x2FFFF;
	_ =	strace $0x9FFFFFFF  }
0xc8: {  	(tm) =	ssettm $0x7FFFFFFF  }
0xc9: {  	_ =	shalt  }
tec
execute0_lowered:
.L_overlay_start_1:
0x0: {  	(tag) =	ssettag $0x1  }
0x1: {  	s0 =	rddreg [dreg:$0x2]  }
0x2: {  	s1 =	srdreg.scid;
	s2 =	rddreg [dreg:$0x3]  }
0x3: {  	s10 =	stileid.u32;
	s3 =	rddreg [dreg:$0x4]  }
0x4: {  	s4 =	simm.s32 $0x0;
	s15 =	simm.s32 $0x2;
	s16 =	simm.s32 $0xC00  }
0x5: {  	s17 =	simm.s32 $0x1;
	s18 =	simm.s32 $0x19400;
	s20 =	simm.s32 $0x400  }
0x6: {  	s1 =	sand.u32 $0x1, s1;
	s8 =	sand.u32 $0x3, s10;
	s19 =	sshrl.u32 s10, $0x2  }
0x7: {  	[smem:$0x7FF] =	sst s4;
	s29 =	sshll.u32 s10, $0xB;
	s10 =	sshll.u32 s10, $0x8  }
0x8: {  	s5 =	sshll.u32 s1, $0x2;
	s6 =	ssub.s32 $0x2, s1;
	s9 =	smul.u32 $0x18800, s19  }
0x9: {  	_ =	strace $0x80000047;
	s21 =	smul.u32 $0x3100, s19;
	s25 =	sor.u32 $0x4, s19  }
0xa: {  	s1 =	sshll.u32 s1, $0xF;
	p0 =	seq.s32 s19, $0x3;
	s30 =	sshll.u32 s19, $0xF  }
0xb: {  	s11 =	sand.u32 $0x300, s10;
	s31 =	sshll.u32 s8, $0xD;
	s26 =	smul.u32 $0x18800, s25  }
0xc: {  	s5 =	sor.u32 s8, s5;
	s23 =	sshrl.u32 s6, $0x1;
	s22 =	smul.u32 $0x3100, s25  }
0xd: {  	s7 =	smul.u32 $0xC3800, s5;
	s14 =	ssub.s32 s6, s23;
	s23 =	simm.s32 $0x2FA0  }
0xe: {  	s23 =	simm.s32 @!p0 $0x3100;
	s14 =	smax.u32 s14, $0x1;
	p0 =	sne.s32 s19, $0x3  }
0xf: {  	s19 =	simm.s32 $0x100;
	s24 =	sadd.s32 s9, s7;
	s28 =	sadd.s32 s26, s7  }
0x10: {  	s7 =	sshrl.u32 s7, $0x3;
	s9 =	sadd.s32 s30, s3;
	s26 =	simm.s32 $0x0  }
0x11: {  	s5 =	sshrl.u32 s24, $0x3;
	s6 =	sshrl.u32 s28, $0x3;
	s7 =	sadd.s32 s0, s7  }
0x12: {  	s5 =	sadd.s32 s0, s5;
	s6 =	sadd.s32 s0, s6;
	s0 =	sand.u32 $0x6000, s29  }
0x13: {  	s9 =	sadd.s32 s31, s9;
	s3 =	sadd.s32 s0, s3;
	s0 =	sor.u32 s1, s0  }
0x14: {  	s7 =	sadd.s32 $0x15700, s7;
	s8 =	sadd.s32 s11, s3;
	s0 =	sor.u32 s11, s0  }
0x15: {  	v3 =	vimm.f32 $1.000000000e+00;
	v4 =	vimm.f32 $0.0e+00;
	v5 =	vlaneseq.u32;
	[dreg:$0x6] =	wrdreg s5;
	s10 =	sadd.s32 $0x8000, s8;
	s0 =	sshrl.u32 s0, $0x3  }
0x16: {  	v0 =	vmov s21;
	v1 =	vmov s22;
	v2 =	vmov s23;
	s11 =	sadd.s32 $0x10000, s8;
	s12 =	sadd.s32 $0x18000, s8;
	s13 =	sadd.s32 s2, s0  }
.LBB2_1:
0x17: {  	s0 =	rddreg [dreg:$0x0]  }
0x18: {  	[tilespmem:s4], [sflag:$0x2] =	stream.linear.gather [hbm4b:s0+s4], $0x400, $0x38;
	[tilespmem:$0x1FC00] =	vst v63  }
0x19: {  	_ =	swait.ge [sflag:s15], $0x400  }
0x1a: {  	[sflag:s15] =	ssyncset.done $0x0  }
0x1b: {  	[sflag:s15] =	ssyncadd.s32 $0xFFFFFC00  }
0x1c: {  	s21 =	rddreg [dreg:$0x1]  }
0x1d: {  	[tilespmem:s20], [sflag:$0x2] =	stream.linear.gather [hbm4b:s21+s4], $0x400, $0x38;
	[tilespmem:$0x1FC00] =	vst v63  }
0x1e: {  	_ =	swait.ge [sflag:s15], $0x400  }
0x1f: {  	[sflag:s15] =	ssyncset.done $0x0  }
0x20: {  	s23 =	sand.u32 $0x60, s4;
	s22 =	rddreg [dreg:$0x6];
	[sflag:s15] =	ssyncadd.s32 $0xFFFFFC00  }
0x21: {  	[tilespmem:s16], [sflag:$0x1] =	stream.linear.gather [hbm4b:s22+s4], $0x18800, $0x38;
	[tilespmem:$0x1FC00] =	vst v63  }
0x22: {  	s2 =	sand.u32 $0x380, s4;
	s1 =	sor.u32 $0x10, s23;
	v6 =	vld [tilespmem:s4+$0x0]  }
0x23: {  	s2 =	sor.u32 s2, s1;
	v7 =	vld [tilespmem:s20+$0x0]  }
0x24: {  	v8 =	vld [tilespmem:s2+$0x0]  }
0x25: {  	v9 =	vld [tilespmem:s2+$0x400];
	_ =	sdelay $0x3  }
0x26: {  	vm0 =	veq.s32 v6, v7  }
0x27: {  	s28 =	simm.s32 $0x800;
	s3 =	sand.u32 $0x1C00, s4;
	vm15 =	veq.s32 v8, v9;
	v6 =	vsel vm0, $0x0, v3  }
0x28: {  	s3 =	sadd.s32 $0x19400, s3;
	[tilespmem:s28+$0x0] =	vst v6;
	v6 =	vsel vm15, $0x0, v3  }
0x29: {  	s1 =	sor.u32 s1, s3;
	[tilespmem:s2+$0x800] =	vst v6  }
0x2a: {  	[tilespmem:s1+$0x0] =	vst v4  }
0x2b: {  	s24 =	sand.u32 $0x3, s4;
	s30 =	simm.s32 $0x0;
	s31 =	simm.s32 $0x20;
	[tilespmem:s1+$0x80] =	vst v4  }
0x2c: {  	s0 =	simm.s32 $0x0;
	s21 =	sor.u32 s4, s4;
	s2 =	sshll.u32 s24, $0x5;
	[tilespmem:s1+$0x100] =	vst v4  }
0x2d: {  	s29 =	sor.u32 $0x380, s21;
	s21 =	simm.s32 $0x0;
	s25 =	sadd.s32 $0x0, s2;
	[tilespmem:s1+$0x180] =	vst v4  }
0x2e: {  	s2 =	sor.u32 s23, s3;
	[tilespmem:s1+$0x200] =	vst v4;
	s3 =	simm.s32 $0x0;
	s23 =	sadd.s32 $0x10, s25  }
0x2f: {  	[tilespmem:s1+$0x280] =	vst v4;
	s1 =	simm.s32 $0x400;
	s22 =	sor.u32 $0x300, s25;
	s24 =	sor.u32 $0x300, s23  }
.LBB2_2:
0x30: {  	s25 =	sand.u32 $0x60, s31;
	[tilespmem:s24+$0x19400] =	vst v4;
	s23 =	sor.u32 $0x380, s23;
	s3 =	sadd.s32 $0x20, s3  }
0x31: {  	s5 =	sand.u32 $0x380, s31;
	s1 =	sadd.s32 $0x20, s1;
	v6 =	vld [tilespmem:s3+$0x0];
	s24 =	sor.u32 $0x10, s25;
	[tilespmem:s23+$0x19400] =	vst v4  }
0x32: {  	v7 =	vld [tilespmem:s1+$0x0];
	s5 =	sor.u32 s5, s24;
	[tilespmem:s2+$0x0] =	vst v4  }
0x33: {  	v8 =	vld [tilespmem:s5+$0x0];
	[tilespmem:s2+$0x80] =	vst v4  }
0x34: {  	v9 =	vld [tilespmem:s5+$0x400];
	[tilespmem:s2+$0x100] =	vst v4  }
0x35: {  	[tilespmem:s2+$0x180] =	vst v4  }
0x36: {  	[tilespmem:s2+$0x200] =	vst v4  }
0x37: {  	[tilespmem:s2+$0x280] =	vst v4  }
0x38: {  	s0 =	sadd.s32 $0x100, s0;
	s28 =	sadd.s32 $0x20, s28;
	vm0 =	veq.s32 v6, v7;
	[tilespmem:s22+$0x19400] =	vst v4  }
0x39: {  	s30 =	sadd.s32 $0x2, s30;
	s2 =	sand.u32 $0x1C00, s0;
	v6 =	vsel vm0, $0x0, v3;
	s22 =	sor.u32 s0, s31;
	vm0 =	veq.s32 v8, v9;
	[tilespmem:s29+$0x19400] =	vst v4  }
0x3a: {  	p1 =	slt.u32 s30, $0x3E;
	s23 =	sadd.s32 $0x19400, s2;
	s29 =	sor.u32 $0x380, s22;
	[tilespmem:s28+$0x0] =	vst v6;
	v6 =	vsel vm0, $0x0, v3  }
0x3b: {  	s2 =	sor.u32 s25, s23;
	[tilespmem:s5+$0x800] =	vst v6;
	s5 =	sor.u32 s24, s23  }
0x3c: {  	s21 =	sadd.s32 $0x1, s21;
	[tilespmem:s5+$0x0] =	vst v4  }
.Ltmp0:
0x3d: {  	s22 =	sand.u32 $0x3, s21;
	[tilespmem:s5+$0x80] =	vst v4;
	(pc) =	sbr.rel @p1 .LBB2_2-.Ltmp0, $4  }
0x3e: {  	s22 =	sshll.u32 s22, $0x5;
	[tilespmem:s5+$0x100] =	vst v4  }
0x3f: {  	s23 =	sadd.s32 s22, s0;
	[tilespmem:s5+$0x180] =	vst v4  }
0x40: {  	s22 =	sor.u32 $0x300, s23;
	s23 =	sadd.s32 $0x10, s23;
	[tilespmem:s5+$0x200] =	vst v4  }
0x41: {  	s31 =	sadd.s32 $0x20, s31;
	s24 =	sor.u32 $0x300, s23;
	[tilespmem:s5+$0x280] =	vst v4  }
0x42: {  	[tilespmem:s24+$0x19400] =	vst v4  }
0x43: {  	[tilespmem:s2+$0x0] =	vst v4  }
0x44: {  	[tilespmem:s2+$0x80] =	vst v4  }
0x45: {  	[tilespmem:s2+$0x100] =	vst v4  }
0x46: {  	[tilespmem:s2+$0x180] =	vst v4  }
0x47: {  	[tilespmem:s2+$0x200] =	vst v4  }
0x48: {  	s0 =	sor.u32 $0x380, s23;
	[tilespmem:s2+$0x280] =	vst v4  }
0x49: {  	[tilespmem:s0+$0x19400] =	vst v4  }
0x4a: {  	[tilespmem:s22+$0x19400] =	vst v4  }
0x4b: {  	[tilespmem:s29+$0x19400] =	vst v4  }
0x4c: {  	_ =	swait.ge [sflag:s17], $0x18800  }
0x4d: {  	[sflag:s17] =	ssyncset.done $0x0  }
0x4e: {  	s5 =	simm.s32 $0x10;
	[sflag:s17] =	ssyncadd.s32 $0xFFFE7800  }
0x4f: {  	v6 =	vld [tilespmem:s5+$0x0];
	_ =	sdelay $0x2  }
0x50: {  	v7 =	vld [tilespmem:s5+$0xFFFFFFF0];
	_ =	sdelay $0x1  }
0x51: {  	v8 =	vsub.s32 v6, v0  }
0x52: {  	v9 =	vshll.u32 v8, $0x3  }
0x53: {  	v6 =	vand.u32 $0x7F, v6;
	vm1 =	vlt.u32 v8, $0x3100;
	v8 =	vand.u32 $0xFFFFFC00, v9  }
0x54: {  	v9 =	vsub.s32 v7, v0;
	v6 =	vor.u32 v6, v8  }
0x55: {  	v10 =	vmov s5;
	v8 =	vshll.u32 v9, $0x3  }
0x56: {  	v7 =	vand.u32 $0x7F, v7;
	vm2 =	vlt.u32 v9, $0x3100;
	v8 =	vand.u32 $0xFFFFFC00, v8  }
0x57: {  	v9 =	vor.u32 v7, v8;
	v7 =	vor.u32 s5, v5;
	v8 =	vshll.u32 v10, $0x3  }
0x58: {  	s21 =	simm.s32 $0x0;
	v7 =	vand.u32 $0x7F, v7;
	v10 =	vand.u32 $0x1C00, v8  }
0x59: {  	v11 =	vmov s21;
	v29 =	vor.u32 v7, v10;
	v12 =	vld.idx.msk [tilespmem:v6+s16+$0x0], vm1  }
0x5a: {  	v15 =	vshll.u32 v11, $0x3;
	v11 =	vor.u32 $0x80, v6;
	v10 =	vor.u32 s21, v5  }
0x5b: {  	v13 =	vand.u32 $0x1C00, v15;
	v16 =	vand.u32 $0x6F, v10  }
0x5c: {  	v35 =	vor.u32 v16, v13;
	v10 =	vld.idx.msk [tilespmem:v9+s16+$0x0], vm2  }
0x5d: {  	v13 =	vor.u32 $0x80, v9  }
0x5e: {  	[tilespmem:v29+s18+$0x0] =	vst.idx.add.f32.msk vm1, v12  }
0x5f: {  	v14 =	vor.u32 $0x80, v29;
	v11 =	vld.idx.msk [tilespmem:v11+s16+$0x0], vm1  }
0x60: {  	v12 =	vor.u32 $0x100, v6  }
0x61: {  	[tilespmem:v35+s18+$0x0] =	vst.idx.add.f32.msk vm2, v10  }
0x62: {  	v17 =	vor.u32 $0x80, v35;
	v10 =	vld.idx.msk [tilespmem:v13+s16+$0x0], vm2  }
0x63: {  	v13 =	vor.u32 $0x100, v9;
	[tilespmem:$0x1FE60] =	vst v14  }
0x64: {  	[tilespmem:v14+s18+$0x0] =	vst.idx.add.f32.msk vm1, v11  }
0x65: {  	v11 =	vld.idx.msk [tilespmem:v12+s16+$0x0], vm1;
	v12 =	vor.u32 $0x100, v29  }
0x66: {  	[tilespmem:$0x1FE70] =	vst v17  }
0x67: {  	v14 =	vor.u32 $0x180, v6;
	[tilespmem:v17+s18+$0x0] =	vst.idx.add.f32.msk vm2, v10  }
0x68: {  	s22 =	simm.s32 $0x30;
	v10 =	vld.idx.msk [tilespmem:v13+s16+$0x0], vm2  }
0x69: {  	v18 =	vor.u32 $0x100, v35;
	v13 =	vld [tilespmem:s22+$0x0]  }
0x6a: {  	v17 =	vor.u32 $0x180, v9;
	[tilespmem:v12+s18+$0x0] =	vst.idx.add.f32.msk vm1, v11  }
0x6b: {  	v12 =	vld [tilespmem:s22+$0xFFFFFFF0]  }
0x6c: {  	v21 =	vor.u32 $0x180, v29;
	v11 =	vld.idx.msk [tilespmem:v14+s16+$0x0], vm1  }
0x6d: {  	v14 =	vor.u32 $0x200, v6;
	[tilespmem:$0x1FE80] =	vst v18  }
0x6e: {  	vm0 =	vmmov vm2;
	[tilespmem:v18+s18+$0x0] =	vst.idx.add.f32.msk vm2, v10;
	v10 =	vsub.s32 v13, v0  }
0x6f: {  	v20 =	vor.u32 $0x180, v35;
	v18 =	vor.u32 $0x200, v9;
	v17 =	vld.idx.msk [tilespmem:v17+s16+$0x0], vm2;
	v19 =	vshll.u32 v10, $0x3  }
0x70: {  	vm3 =	vlt.u32 v10, $0x3100;
	v10 =	vand.u32 $0x7F, v13;
	[tilespmem:$0x1FE90] =	vst v21;
	v13 =	vand.u32 $0xFFFFFC00, v19  }
0x71: {  	v19 =	vsub.s32 v12, v0;
	[tilespmem:v21+s18+$0x0] =	vst.idx.add.f32.msk vm1, v11;
	v11 =	vor.u32 v10, v13  }
0x72: {  	v22 =	vor.u32 $0x200, v29;
	v10 =	vand.u32 $0x7F, v12;
	v13 =	vshll.u32 v19, $0x3;
	v12 =	vld.idx.msk [tilespmem:v14+s16+$0x0], vm1  }
0x73: {  	vm2 =	vlt.u32 v19, $0x3100;
	v13 =	vand.u32 $0xFFFFFC00, v13;
	v14 =	vor.u32 $0x280, v6;
	[tilespmem:$0x1FEA0] =	vst v20  }
0x74: {  	[tilespmem:v20+s18+$0x0] =	vst.idx.add.f32.msk vm0, v17;
	v10 =	vor.u32 v10, v13;
	v13 =	vmov s22  }
0x75: {  	v25 =	vor.u32 $0x200, v35;
	v17 =	vld.idx.msk [tilespmem:v18+s16+$0x0], vm0;
	v18 =	vor.u32 s22, v5;
	v13 =	vshll.u32 v13, $0x3  }
0x76: {  	v19 =	vor.u32 $0x280, v9;
	v18 =	vand.u32 $0x7F, v18;
	v21 =	vand.u32 $0x1C00, v13;
	v20 =	vld.idx.msk [tilespmem:v11+s16+$0x0], vm3;
	[tilespmem:$0x1FEB0] =	vst v22  }
0x77: {  	s23 =	simm.s32 $0x20;
	v33 =	vor.u32 v18, v21;
	[tilespmem:v22+s18+$0x0] =	vst.idx.add.f32.msk vm1, v12  }
0x78: {  	vm4 =	vmmov vm1;
	v21 =	vor.u32 $0x80, v11;
	v12 =	vmov s23;
	v22 =	vld.idx.msk [tilespmem:v14+s16+$0x0], vm1  }
0x79: {  	v26 =	vor.u32 $0x280, v29;
	v12 =	vshll.u32 v12, $0x3;
	v14 =	vor.u32 s23, v5;
	v23 =	vld.idx.msk [tilespmem:v10+s16+$0x0], vm2;
	[tilespmem:$0x1FEC0] =	vst v25  }
0x7a: {  	v24 =	vand.u32 $0x1C00, v12;
	v14 =	vand.u32 $0x6F, v14;
	[tilespmem:v25+s18+$0x0] =	vst.idx.add.f32.msk vm0, v17;
	v17 =	vor.u32 $0x300, v6  }
0x7b: {  	v46 =	vor.u32 v14, v24;
	v19 =	vld.idx.msk [tilespmem:v19+s16+$0x0], vm0  }
0x7c: {  	v24 =	vor.u32 $0x80, v10;
	[tilespmem:v33+s18+$0x0] =	vst.idx.add.f32.msk vm3, v20  }
0x7d: {  	v25 =	vor.u32 $0x280, v35;
	v20 =	vld.idx.msk [tilespmem:v21+s16+$0x0], vm3;
	[tilespmem:$0x1FED0] =	vst v26  }
0x7e: {  	v48 =	vor.u32 $0x80, v33;
	[tilespmem:v26+s18+$0x0] =	vst.idx.add.f32.msk vm4, v22  }
0x7f: {  	v21 =	vor.u32 $0x100, v11;
	v17 =	vld.idx.msk [tilespmem:v17+s16+$0x0], vm4  }
0x80: {  	[tilespmem:v46+s18+$0x0] =	vst.idx.add.f32.msk vm2, v23;
	v23 =	vor.u32 $0x300, v29  }
0x81: {  	v6 =	vor.u32 $0x380, v6;
	v22 =	vld.idx.msk [tilespmem:v24+s16+$0x0], vm2;
	[tilespmem:$0x1FEE0] =	vst v25  }
0x82: {  	v24 =	vor.u32 $0x80, v46;
	[tilespmem:v25+s18+$0x0] =	vst.idx.add.f32.msk vm0, v19  }
0x83: {  	v19 =	vor.u32 $0x100, v10;
	[tilespmem:v48+s18+$0x0] =	vst.idx.add.f32.msk vm3, v20  }
0x84: {  	v20 =	vld.idx.msk [tilespmem:v21+s16+$0x0], vm3;
	[tilespmem:$0x1FEF0] =	vst v23  }
0x85: {  	v21 =	vor.u32 $0x100, v33;
	[tilespmem:v23+s18+$0x0] =	vst.idx.add.f32.msk vm4, v17  }
0x86: {  	v17 =	vor.u32 $0x180, v11;
	v6 =	vld.idx.msk [tilespmem:v6+s16+$0x0], vm4;
	[tilespmem:$0x1FF00] =	vst v24  }
0x87: {  	vm1 =	vmmov vm2;
	[tilespmem:v24+s18+$0x0] =	vst.idx.add.f32.msk vm2, v22  }
0x88: {  	s24 =	simm.s32 $0x50;
	v23 =	vor.u32 $0x100, v46;
	v19 =	vld.idx.msk [tilespmem:v19+s16+$0x0], vm2  }
0x89: {  	v7 =	vor.u32 v7, v8;
	v22 =	vor.u32 $0x180, v10;
	v8 =	vld [tilespmem:s24+$0x0]  }
0x8a: {  	v26 =	vor.u32 $0x380, v7;
	[tilespmem:v21+s18+$0x0] =	vst.idx.add.f32.msk vm3, v20  }
0x8b: {  	v7 =	vor.u32 $0x300, v9;
	v17 =	vld.idx.msk [tilespmem:v17+s16+$0x0], vm3;
	vm3 =	vmmov vm3  }
0x8c: {  	v45 =	vor.u32 $0x180, v33;
	v20 =	vld [tilespmem:s24+$0xFFFFFFF0];
	[tilespmem:$0x1FF10] =	vst v23  }
0x8d: {  	v15 =	vor.u32 v15, v16;
	[tilespmem:v23+s18+$0x0] =	vst.idx.add.f32.msk vm1, v19;
	v19 =	vor.u32 $0x200, v11  }
0x8e: {  	v25 =	vor.u32 $0x180, v46;
	v24 =	vor.u32 $0x300, v15;
	v16 =	vsub.s32 v8, v0;
	v21 =	vld.idx.msk [tilespmem:v22+s16+$0x0], vm1;
	[tilespmem:$0x1FF20] =	vst v26  }
0x8f: {  	vm2 =	vmmov vm0;
	v22 =	vor.u32 $0x200, v10;
	[tilespmem:v26+s18+$0x0] =	vst.idx.add.f32.msk vm4, v6;
	v6 =	vshll.u32 v16, $0x3  }
0x90: {  	v8 =	vand.u32 $0x7F, v8;
	v7 =	vld.idx.msk [tilespmem:v7+s16+$0x0], vm0;
	vm0 =	vlt.u32 v16, $0x3100;
	v6 =	vand.u32 $0xFFFFFC00, v6  }
0x91: {  	v23 =	vsub.s32 v20, v0;
	[tilespmem:v45+s18+$0x0] =	vst.idx.add.f32.msk vm3, v17;
	v16 =	vor.u32 v8, v6  }
0x92: {  	v26 =	vor.u32 $0x200, v33;
	v6 =	vand.u32 $0x7F, v20;
	v8 =	vshll.u32 v23, $0x3;
	v20 =	vld.idx.msk [tilespmem:v19+s16+$0x0], vm3;
	[tilespmem:$0x1FF30] =	vst v25  }
0x93: {  	vm4 =	vlt.u32 v23, $0x3100;
	v8 =	vand.u32 $0xFFFFFC00, v8;
	[tilespmem:v25+s18+$0x0] =	vst.idx.add.f32.msk vm1, v21;
	v21 =	vor.u32 $0x280, v11  }
0x94: {  	v19 =	vor.u32 v6, v8;
	v6 =	vmov s24;
	v22 =	vld.idx.msk [tilespmem:v22+s16+$0x0], vm1;
	[tilespmem:$0x1FF40] =	vst v24  }
0x95: {  	v17 =	vor.u32 $0x200, v46;
	v8 =	vor.u32 s24, v5;
	v6 =	vshll.u32 v6, $0x3;
	[tilespmem:v24+s18+$0x0] =	vst.idx.add.f32.msk vm2, v7  }
0x96: {  	s25 =	simm.s32 $0x40;
	v23 =	vor.u32 $0x280, v10;
	v7 =	vand.u32 $0x7F, v8;
	v8 =	vand.u32 $0x1C00, v6;
	v24 =	vld.idx.msk [tilespmem:v16+s16+$0x0], vm0;
	[tilespmem:$0x1FF50] =	vst v26  }
0x97: {  	v25 =	vmov s25;
	v8 =	vor.u32 v7, v8;
	[tilespmem:v26+s18+$0x0] =	vst.idx.add.f32.msk vm3, v20  }
0x98: {  	v20 =	vshll.u32 v25, $0x3;
	v25 =	vor.u32 s25, v5;
	v26 =	vor.u32 $0x80, v16;
	v21 =	vld.idx.msk [tilespmem:v21+s16+$0x0], vm3  }
0x99: {  	v30 =	vor.u32 $0x280, v33;
	v27 =	vand.u32 $0x1C00, v20;
	v25 =	vand.u32 $0x6F, v25;
	v28 =	vld.idx.msk [tilespmem:v19+s16+$0x0], vm4;
	[tilespmem:$0x1FF60] =	vst v17  }
0x9a: {  	v50 =	vor.u32 v25, v27;
	[tilespmem:v17+s18+$0x0] =	vst.idx.add.f32.msk vm1, v22  }
0x9b: {  	v22 =	vor.u32 $0x80, v19;
	v23 =	vld.idx.msk [tilespmem:v23+s16+$0x0], vm1  }
0x9c: {  	v27 =	vor.u32 $0x300, v11;
	[tilespmem:v8+s18+$0x0] =	vst.idx.add.f32.msk vm0, v24  }
0x9d: {  	v49 =	vor.u32 $0x80, v8;
	v24 =	vld.idx.msk [tilespmem:v26+s16+$0x0], vm0;
	[tilespmem:$0x1FF70] =	vst v30  }
0x9e: {  	[tilespmem:v30+s18+$0x0] =	vst.idx.add.f32.msk vm3, v21;
	v21 =	vor.u32 $0x100, v16  }
0x9f: {  	v17 =	vor.u32 $0x280, v46;
	[tilespmem:v50+s18+$0x0] =	vst.idx.add.f32.msk vm4, v28  }
0xa0: {  	v47 =	vor.u32 $0x80, v50;
	v22 =	vld.idx.msk [tilespmem:v22+s16+$0x0], vm4  }
0xa1: {  	v26 =	vor.u32 $0x100, v19;
	v27 =	vld.idx.msk [tilespmem:v27+s16+$0x0], vm3  }
0xa2: {  	[tilespmem:v49+s18+$0x0] =	vst.idx.add.f32.msk vm0, v24  }
0xa3: {  	v24 =	vor.u32 $0x100, v8;
	v21 =	vld.idx.msk [tilespmem:v21+s16+$0x0], vm0;
	[tilespmem:$0x1FF80] =	vst v17  }
0xa4: {  	[tilespmem:v17+s18+$0x0] =	vst.idx.add.f32.msk vm1, v23;
	v23 =	vor.u32 $0x180, v16  }
0xa5: {  	[tilespmem:v47+s18+$0x0] =	vst.idx.add.f32.msk vm4, v22  }
0xa6: {  	s28 =	simm.s32 $0x70;
	v17 =	vor.u32 $0x300, v33;
	v22 =	vld.idx.msk [tilespmem:v26+s16+$0x0], vm4  }
0xa7: {  	v11 =	vor.u32 $0x380, v11;
	v26 =	vld [tilespmem:s28+$0x0]  }
0xa8: {  	v28 =	vor.u32 $0x100, v50;
	[tilespmem:v24+s18+$0x0] =	vst.idx.add.f32.msk vm0, v21  }
0xa9: {  	v21 =	vor.u32 $0x180, v19;
	v23 =	vld.idx.msk [tilespmem:v23+s16+$0x0], vm0;
	vm0 =	vmmov vm0  }
0xaa: {  	v13 =	vor.u32 v18, v13;
	v30 =	vor.u32 $0x180, v8;
	v24 =	vld [tilespmem:s28+$0xFFFFFFF0];
	[tilespmem:$0x1FF90] =	vst v17  }
0xab: {  	v31 =	vor.u32 $0x380, v13;
	v18 =	vor.u32 $0x200, v16;
	[tilespmem:v17+s18+$0x0] =	vst.idx.add.f32.msk vm3, v27  }
0xac: {  	vm6 =	vmmov vm1;
	vm5 =	vmmov vm4;
	v11 =	vld.idx.msk [tilespmem:v11+s16+$0x0], vm3;
	v13 =	vsub.s32 v26, v0;
	[tilespmem:$0x1FFA0] =	vst v28  }
0xad: {  	v27 =	vor.u32 $0x300, v10;
	v17 =	vor.u32 $0x180, v50;
	[tilespmem:v28+s18+$0x0] =	vst.idx.add.f32.msk vm4, v22;
	v22 =	vshll.u32 v13, $0x3  }
0xae: {  	vm1 =	vlt.u32 v13, $0x3100;
	v13 =	vand.u32 $0x7F, v26;
	v21 =	vld.idx.msk [tilespmem:v21+s16+$0x0], vm4;
	v22 =	vand.u32 $0xFFFFFC00, v22;
	[tilespmem:$0x1FFB0] =	vst v30  }
0xaf: {  	v26 =	vor.u32 $0x200, v19;
	v51 =	vor.u32 v13, v22;
	v13 =	vand.u32 $0x7F, v24;
	[tilespmem:v30+s18+$0x0] =	vst.idx.add.f32.msk vm0, v23  }
0xb0: {  	v22 =	vor.u32 $0x280, v16;
	v23 =	vsub.s32 v24, v0;
	v30 =	vor.u32 $0x200, v8;
	v18 =	vld.idx.msk [tilespmem:v18+s16+$0x0], vm0;
	[tilespmem:$0x1FFC0] =	vst v31  }
0xb1: {  	vm4 =	vlt.u32 v23, $0x3100;
	[tilespmem:v31+s18+$0x0] =	vst.idx.add.f32.msk vm3, v11;
	v11 =	vshll.u32 v23, $0x3;
	v23 =	vmov s28  }
0xb2: {  	v24 =	vor.u32 s28, v5;
	v27 =	vld.idx.msk [tilespmem:v27+s16+$0x0], vm6;
	v11 =	vand.u32 $0xFFFFFC00, v11;
	v52 =	vshll.u32 v23, $0x3;
	[tilespmem:$0x1FFD0] =	vst v17  }
0xb3: {  	v53 =	vand.u32 $0x7F, v24;
	[tilespmem:v17+s18+$0x0] =	vst.idx.add.f32.msk vm5, v21;
	v28 =	vor.u32 v13, v11;
	v11 =	vand.u32 $0x1C00, v52  }
0xb4: {  	s31 =	simm.s32 $0x60;
	v13 =	vld.idx.msk [tilespmem:v51+s16+$0x0], vm1;
	v54 =	vor.u32 v53, v11;
	[tilespmem:$0x1FFE0] =	vst v30  }
0xb5: {  	v11 =	vmov s31;
	[tilespmem:v30+s18+$0x0] =	vst.idx.add.f32.msk vm0, v18;
	v18 =	vor.u32 $0x80, v51  }
0xb6: {  	v17 =	vor.u32 $0x280, v8;
	v23 =	vshll.u32 v11, $0x3;
	v11 =	vor.u32 s31, v5;
	v21 =	vld.idx.msk [tilespmem:v22+s16+$0x0], vm0  }
0xb7: {  	v22 =	vld.idx.msk [tilespmem:v26+s16+$0x0], vm5;
	v24 =	vand.u32 $0x1C00, v23;
	v26 =	vand.u32 $0x6F, v11;
	v11 =	vor.u32 $0x300, v16  }
0xb8: {  	v31 =	vor.u32 v26, v24;
	v30 =	vld.idx.msk [tilespmem:v28+s16+$0x0], vm4  }
0xb9: {  	v24 =	vor.u32 $0x80, v28;
	[tilespmem:v54+s18+$0x0] =	vst.idx.add.f32.msk vm1, v13  }
0xba: {  	v13 =	vor.u32 $0x200, v50;
	v18 =	vld.idx.msk [tilespmem:v18+s16+$0x0], vm1;
	[tilespmem:$0x1FFF0] =	vst v17  }
0xbb: {  	v32 =	vor.u32 $0x80, v54;
	[tilespmem:v17+s18+$0x0] =	vst.idx.add.f32.msk vm0, v21  }
0xbc: {  	v59 =	vor.u32 $0x380, v9;
	v21 =	vor.u32 $0x280, v19;
	v58 =	vld.idx.msk [tilespmem:v11+s16+$0x0], vm0  }
0xbd: {  	v55 =	vor.u32 $0x380, v10;
	vm3 =	vmmov vm2;
	[tilespmem:v31+s18+$0x0] =	vst.idx.add.f32.msk vm4, v30;
	v30 =	vor.u32 $0x300, v8  }
0xbe: {  	v9 =	vor.u32 v12, v14;
	v57 =	vor.u32 $0x300, v19;
	vm2 =	vmmov vm4;
	v24 =	vld.idx.msk [tilespmem:v24+s16+$0x0], vm4  }
0xbf: {  	v56 =	vor.u32 $0x380, v19;
	v14 =	vor.u32 $0x280, v50;
	v12 =	vor.u32 $0x80, v31;
	[tilespmem:v13+s18+$0x0] =	vst.idx.add.f32.msk vm5, v22  }
0xc0: {  	v10 =	vor.u32 $0x380, v9;
	v63 =	vor.u32 $0x280, v28;
	v19 =	vor.u32 $0x100, v51;
	[tilespmem:v32+s18+$0x0] =	vst.idx.add.f32.msk vm1, v18  }
0xc1: {  	v62 =	vor.u32 $0x280, v31;
	v11 =	vor.u32 $0x380, v15;
	v15 =	vor.u32 $0x300, v9;
	v18 =	vld.idx.msk [tilespmem:v21+s16+$0x0], vm5  }
0xc2: {  	v9 =	vor.u32 v20, v25;
	v25 =	vor.u32 $0x180, v28;
	v20 =	vor.u32 $0x200, v28;
	[tilespmem:v30+s18+$0x0] =	vst.idx.add.f32.msk vm0, v58  }
0xc3: {  	v22 =	vor.u32 $0x380, v28;
	v21 =	vor.u32 $0x180, v31;
	v58 =	vld.idx.msk [tilespmem:v59+s16+$0x0], vm3;
	v30 =	vor.u32 $0x380, v16  }
0xc4: {  	v59 =	vor.u32 $0x100, v28;
	v16 =	vor.u32 $0x200, v31;
	[tilespmem:v12+s18+$0x0] =	vst.idx.add.f32.msk vm2, v24;
	v24 =	vor.u32 $0x100, v31  }
0xc5: {  	v12 =	vor.u32 v23, v26;
	v23 =	vor.u32 $0x300, v28;
	v28 =	vld.idx.msk [tilespmem:v19+s16+$0x0], vm1;
	v31 =	vor.u32 $0x100, v54  }
0xc6: {  	v19 =	vor.u32 $0x380, v12;
	[tilespmem:v14+s18+$0x0] =	vst.idx.add.f32.msk vm5, v18;
	v18 =	vor.u32 $0x300, v12;
	v12 =	vor.u32 v7, v6  }
0xc7: {  	v41 =	vor.u32 $0x300, v9;
	v9 =	vor.u32 $0x380, v9;
	v32 =	vor.u32 $0x180, v51;
	[tilespmem:v15+s18+$0x0] =	vst.idx.add.f32.msk vm6, v27  }
0xc8: {  	v60 =	vmovc v11;
	vm4 =	vmmov vm6;
	v61 =	vmov v9;
	v27 =	vor.u32 $0x380, v12;
	v26 =	vld.idx.msk [tilespmem:v30+s16+$0x0], vm0  }
0xc9: {  	s30 =	simm.s32 $0x90;
	s29 =	simm.s32 $0x6;
	vm6 =	vmmov vm5;
	vm3 =	vmmov vm3;
	vm5 =	vmmov vm2;
	v30 =	vld.idx.msk [tilespmem:v59+s16+$0x0], vm2;
	v59 =	vmovc v10;
	v12 =	vmovc v41  }
.LBB2_4:
0xca: {  	v34 =	vld [tilespmem:s30+$0x0]  }
0xcb: {  	[tilespmem:v31+s18+$0x0] =	vst.idx.add.f32.msk vm1, v28  }
0xcc: {  	v28 =	vld.idx.msk [tilespmem:v32+s16+$0x0], vm1  }
0xcd: {  	s29 =	sadd.s32 $0x2, s29;
	[tilespmem:v27+s18+$0x0] =	vst.idx.add.f32.msk vm0, v26;
	vm0 =	vmmov vm1  }
0xce: {  	p1 =	slt.u32 s29, $0x3E;
	v27 =	vor.u32 $0x180, v54;
	v26 =	vld [tilespmem:s30+$0xFFFFFFF0]  }
0xcf: {  	[tilespmem:v24+s18+$0x0] =	vst.idx.add.f32.msk vm2, v30;
	v24 =	vor.u32 $0x200, v51  }
0xd0: {  	v25 =	vld.idx.msk [tilespmem:v25+s16+$0x0], vm2  }
0xd1: {  	v30 =	vsub.s32 v34, v0;
	v31 =	vld.idx.msk [tilespmem:v57+s16+$0x0], vm6;
	v57 =	vmov v23  }
0xd2: {  	v23 =	vshll.u32 v30, $0x3;
	v32 =	vld.idx.msk [tilespmem:v55+s16+$0x0], vm4;
	v55 =	vmov v56;
	v56 =	vmov v22  }
0xd3: {  	vm1 =	vlt.u32 v30, $0x3100;
	v22 =	vand.u32 $0x7F, v34;
	v23 =	vand.u32 $0xFFFFFC00, v23;
	[tilespmem:v27+s18+$0x0] =	vst.idx.add.f32.msk vm0, v28  }
0xd4: {  	v27 =	vsub.s32 v26, v0;
	v26 =	vand.u32 $0x7F, v26;
	v28 =	vor.u32 v22, v23;
	v22 =	vld.idx.msk [tilespmem:v24+s16+$0x0], vm0  }
0xd5: {  	vm7 =	vlt.u32 v27, $0x3100;
	v23 =	vshll.u32 v27, $0x3;
	v24 =	vor.u32 $0x200, v54;
	[tilespmem:v60+s18+$0x0] =	vst.idx.add.f32.msk vm3, v58;
	v60 =	vmovc v59;
	v59 =	vmovc v61  }
0xd6: {  	s28 =	sadd.s32 $0x20, s28;
	v23 =	vand.u32 $0xFFFFFC00, v23;
	v61 =	vmovc v19;
	vm3 =	vmmov vm4;
	[tilespmem:v21+s18+$0x0] =	vst.idx.add.f32.msk vm2, v25;
	v21 =	vor.u32 $0x280, v51  }
0xd7: {  	s0 =	sadd.s32 $0xFFFFFFF0, s28;
	vm4 =	vmmov vm6;
	v19 =	vor.u32 v26, v23;
	v23 =	vmov s28;
	v20 =	vld.idx.msk [tilespmem:v20+s16+$0x0], vm2  }
0xd8: {  	v25 =	vmov s0;
	v26 =	vor.u32 s28, v5;
	v27 =	vshll.u32 v23, $0x3;
	v58 =	vmovc v32;
	[tilespmem:v12+s18+$0x0] =	vst.idx.add.f32.msk vm6, v31;
	v12 =	vmovc v18  }
0xd9: {  	v30 =	vand.u32 $0x7F, v26;
	v18 =	vshll.u32 v25, $0x3;
	v25 =	vand.u32 $0x1C00, v27;
	v23 =	vld.idx.msk [tilespmem:v28+s16+$0x0], vm1  }
0xda: {  	v26 =	vor.u32 s0, v5;
	v31 =	vand.u32 $0x1C00, v18;
	v32 =	vor.u32 v30, v25;
	[tilespmem:v24+s18+$0x0] =	vst.idx.add.f32.msk vm0, v22  }
0xdb: {  	v34 =	vor.u32 $0x80, v28;
	v22 =	vand.u32 $0x6F, v26;
	v26 =	vor.u32 $0x80, v19;
	v36 =	vld.idx.msk [tilespmem:v21+s16+$0x0], vm0  }
0xdc: {  	v39 =	vor.u32 $0x280, v54;
	v38 =	vor.u32 $0x100, v19;
	v31 =	vor.u32 v22, v31;
	v37 =	vld.idx.msk [tilespmem:v19+s16+$0x0], vm7  }
0xdd: {  	v17 =	vor.u32 $0x300, v51;
	v40 =	vor.u32 $0x80, v31;
	v24 =	vor.u32 $0x100, v31;
	[tilespmem:v16+s18+$0x0] =	vst.idx.add.f32.msk vm2, v20  }
0xde: {  	v25 =	vor.u32 $0x180, v19;
	v21 =	vor.u32 $0x180, v31;
	v20 =	vor.u32 $0x200, v19;
	v42 =	vld.idx.msk [tilespmem:v63+s16+$0x0], vm2  }
0xdf: {  	v43 =	vor.u32 $0x280, v31;
	v16 =	vor.u32 $0x200, v31;
	v63 =	vor.u32 $0x280, v19;
	[tilespmem:v32+s18+$0x0] =	vst.idx.add.f32.msk vm1, v23  }
0xe0: {  	v44 =	vor.u32 v18, v22;
	v22 =	vor.u32 $0x380, v19;
	v23 =	vor.u32 $0x300, v19;
	v34 =	vld.idx.msk [tilespmem:v34+s16+$0x0], vm1  }
0xe1: {  	v18 =	vor.u32 $0x300, v44;
	v19 =	vor.u32 $0x380, v44;
	v44 =	vor.u32 $0x80, v32;
	[tilespmem:v39+s18+$0x0] =	vst.idx.add.f32.msk vm0, v36  }
0xe2: {  	vm6 =	vmmov vm2;
	vm2 =	vmmov vm7;
	v36 =	vor.u32 $0x100, v28;
	v17 =	vld.idx.msk [tilespmem:v17+s16+$0x0], vm0  }
0xe3: {  	[tilespmem:v31+s18+$0x0] =	vst.idx.add.f32.msk vm7, v37;
	v37 =	vor.u32 $0x300, v54;
	v54 =	vmov v32  }
0xe4: {  	v39 =	vld.idx.msk [tilespmem:v26+s16+$0x0], vm7;
	v26 =	vor.u32 $0x380, v51;
	v51 =	vmov v28  }
0xe5: {  	[tilespmem:v62+s18+$0x0] =	vst.idx.add.f32.msk vm5, v42;
	v62 =	vmov v43;
	vm5 =	vmmov vm7  }
0xe6: {  	[tilespmem:v44+s18+$0x0] =	vst.idx.add.f32.msk vm1, v34  }
.Ltmp1:
0xe7: {  	v28 =	vld.idx.msk [tilespmem:v36+s16+$0x0], vm1;
	(pc) =	sbr.rel @p1 .LBB2_4-.Ltmp1, $4  }
0xe8: {  	v31 =	vor.u32 $0x100, v54;
	[tilespmem:v37+s18+$0x0] =	vst.idx.add.f32.msk vm0, v17  }
0xe9: {  	v32 =	vor.u32 $0x180, v51;
	v17 =	vor.u32 v53, v52;
	v52 =	vmovc v27;
	v53 =	vmov v30;
	v26 =	vld.idx.msk [tilespmem:v26+s16+$0x0], vm0  }
0xea: {  	v27 =	vor.u32 $0x380, v17;
	[tilespmem:v40+s18+$0x0] =	vst.idx.add.f32.msk vm7, v39  }
0xeb: {  	s30 =	sadd.s32 $0x20, s30;
	v30 =	vld.idx.msk [tilespmem:v38+s16+$0x0], vm7  }
0xec: {  	_ =	sdelay $0x4  }
0xed: {  	[tilespmem:v31+s18+$0x0] =	vst.idx.add.f32.msk vm1, v28  }
0xee: {  	v28 =	vor.u32 $0x180, v54;
	v17 =	vld.idx.msk [tilespmem:v32+s16+$0x0], vm1  }
0xef: {  	[tilespmem:v24+s18+$0x0] =	vst.idx.add.f32.msk vm2, v30;
	v24 =	vor.u32 $0x200, v51  }
0xf0: {  	v25 =	vld.idx.msk [tilespmem:v25+s16+$0x0], vm2;
	_ =	sdelay $0x2  }
0xf1: {  	[tilespmem:v28+s18+$0x0] =	vst.idx.add.f32.msk vm1, v17  }
0xf2: {  	v17 =	vld.idx.msk [tilespmem:v24+s16+$0x0], vm1;
	v24 =	vor.u32 $0x200, v54  }
0xf3: {  	[tilespmem:v21+s18+$0x0] =	vst.idx.add.f32.msk vm2, v25;
	v21 =	vor.u32 $0x280, v51  }
0xf4: {  	v20 =	vld.idx.msk [tilespmem:v20+s16+$0x0], vm2;
	_ =	sdelay $0x2  }
0xf5: {  	[tilespmem:v24+s18+$0x0] =	vst.idx.add.f32.msk vm1, v17  }
0xf6: {  	vm7 =	vmmov vm1;
	v17 =	vld.idx.msk [tilespmem:v21+s16+$0x0], vm1  }
0xf7: {  	[tilespmem:v16+s18+$0x0] =	vst.idx.add.f32.msk vm2, v20;
	v16 =	vor.u32 $0x280, v54;
	_ =	sdelay $0x1  }
0xf8: {  	v20 =	vld.idx.msk [tilespmem:v63+s16+$0x0], vm2  }
0xf9: {  	v21 =	vor.u32 $0x300, v51;
	_ =	sdelay $0x1  }
0xfa: {  	[tilespmem:v16+s18+$0x0] =	vst.idx.add.f32.msk vm7, v17  }
0xfb: {  	v16 =	vld.idx.msk [tilespmem:v57+s16+$0x0], vm6  }
0xfc: {  	[tilespmem:v62+s18+$0x0] =	vst.idx.add.f32.msk vm5, v20  }
0xfd: {  	vm1 =	vmmov vm2;
	v17 =	vld.idx.msk [tilespmem:v21+s16+$0x0], vm7;
	v20 =	vor.u32 $0x300, v54  }
0xfe: {  	v21 =	vld.idx.msk [tilespmem:v23+s16+$0x0], vm2  }
0xff: {  	v23 =	vor.u32 $0x380, v51  }
0x100: {  	[tilespmem:v27+s18+$0x0] =	vst.idx.add.f32.msk vm0, v26  }
0x101: {  	vm2 =	vmmov vm1;
	[tilespmem:v12+s18+$0x0] =	vst.idx.add.f32.msk vm6, v16  }
0x102: {  	[tilespmem:v20+s18+$0x0] =	vst.idx.add.f32.msk vm7, v17  }
0x103: {  	v12 =	vor.u32 v53, v52;
	[tilespmem:v18+s18+$0x0] =	vst.idx.add.f32.msk vm1, v21  }
0x104: {  	vm0 =	vmmov vm6;
	v12 =	vor.u32 $0x380, v12;
	vm1 =	vmmov vm4;
	v16 =	vld.idx.msk [tilespmem:v23+s16+$0x0], vm7  }
0x105: {  	v17 =	vld.idx.msk [tilespmem:v55+s16+$0x0], vm4;
	vm4 =	vmmov vm0  }
0x106: {  	v18 =	vld.idx.msk [tilespmem:v56+s16+$0x0], vm6  }
0x107: {  	v20 =	vld.idx.msk [tilespmem:v22+s16+$0x0], vm2  }
0x108: {  	[tilespmem:v60+s18+$0x0] =	vst.idx.add.f32.msk vm3, v58  }
0x109: {  	[tilespmem:v12+s18+$0x0] =	vst.idx.add.f32.msk vm7, v16  }
0x10a: {  	[tilespmem:v59+s18+$0x0] =	vst.idx.add.f32.msk vm1, v17  }
0x10b: {  	[tilespmem:v61+s18+$0x0] =	vst.idx.add.f32.msk vm4, v18  }
0x10c: {  	s0 =	simm.s32 $0x410;
	[tilespmem:v19+s18+$0x0] =	vst.idx.add.f32.msk vm2, v20  }
0x10d: {  	v12 =	vld [tilespmem:s0+$0x0];
	_ =	sdelay $0x4  }
0x10e: {  	v16 =	vsub.s32 v12, v0  }
0x10f: {  	vm0 =	vmmov vm2;
	v17 =	vshll.u32 v16, $0x3  }
0x110: {  	v12 =	vand.u32 $0x7F, v12;
	vm0 =	vlt.u32 v16, $0x3100;
	v16 =	vand.u32 $0xFFFFFC00, v17  }
0x111: {  	v17 =	vor.u32 v12, v16;
	_ =	sdelay $0x2  }
0x112: {  	s1 =	simm.s32 $0x810  }
0x113: {  	v21 =	vld [tilespmem:s1+$0x0]  }
0x114: {  	v16 =	vld.idx.msk [tilespmem:v17+s16+$0x0], vm0  }
0x115: {  	v12 =	vld [tilespmem:s0+$0xFFFFFFF0];
	_ =	sdelay $0x2  }
0x116: {  	v18 =	vor.u32 $0x80, v17  }
0x117: {  	v16 =	vmul.f32 v16, v21  }
0x118: {  	v19 =	vsub.s32 v12, v0  }
0x119: {  	v20 =	vshll.u32 v19, $0x3;
	[tilespmem:v29+s18+$0x0] =	vst.idx.add.f32.msk vm0, v16  }
0x11a: {  	vm2 =	vlt.u32 v19, $0x3100;
	v19 =	vand.u32 $0xFFFFFC00, v20;
	v20 =	vld [tilespmem:$0x1FE60]  }
0x11b: {  	v12 =	vand.u32 $0x7F, v12;
	v16 =	vld.idx.msk [tilespmem:v18+s16+$0x0], vm0  }
0x11c: {  	v12 =	vor.u32 v12, v19;
	_ =	sdelay $0x2  }
0x11d: {  	v19 =	vor.u32 $0x100, v17  }
0x11e: {  	v51 =	vld [tilespmem:s1+$0xFFFFFFF0];
	v16 =	vmul.f32 v16, v21  }
0x11f: {  	v18 =	vld.idx.msk [tilespmem:v12+s16+$0x0], vm2  }
0x120: {  	s5 =	simm.s32 $0x430;
	[tilespmem:v20+s18+$0x0] =	vst.idx.add.f32.msk vm0, v16  }
0x121: {  	v16 =	vld [tilespmem:s5+$0x0]  }
0x122: {  	v19 =	vld.idx.msk [tilespmem:v19+s16+$0x0], vm0  }
0x123: {  	vm1 =	vmmov vm0  }
0x124: {  	v22 =	vor.u32 $0x100, v29;
	v23 =	vld [tilespmem:s5+$0xFFFFFFF0];
	_ =	sdelay $0x1  }
0x125: {  	v18 =	vmul.f32 v18, v51;
	v24 =	vsub.s32 v16, v0  }
0x126: {  	v20 =	vor.u32 $0x80, v12;
	v19 =	vmul.f32 v19, v21;
	v25 =	vshll.u32 v24, $0x3  }
0x127: {  	v16 =	vand.u32 $0x7F, v16;
	vm0 =	vlt.u32 v24, $0x3100;
	v24 =	vand.u32 $0xFFFFFC00, v25  }
0x128: {  	[tilespmem:v22+s18+$0x0] =	vst.idx.add.f32.msk vm1, v19;
	v19 =	vor.u32 v16, v24;
	v16 =	vsub.s32 v23, v0  }
0x129: {  	v24 =	vshll.u32 v16, $0x3  }
0x12a: {  	[tilespmem:v35+s18+$0x0] =	vst.idx.add.f32.msk vm2, v18;
	v23 =	vand.u32 $0x7F, v23;
	v24 =	vand.u32 $0xFFFFFC00, v24  }
0x12b: {  	v29 =	vor.u32 v23, v24;
	v24 =	vld [tilespmem:$0x1FE70]  }
0x12c: {  	v20 =	vld.idx.msk [tilespmem:v20+s16+$0x0], vm2  }
0x12d: {  	vm2 =	vmmov vm2;
	_ =	sdelay $0x1  }
0x12e: {  	v22 =	vor.u32 $0x100, v12  }
0x12f: {  	s21 =	simm.s32 $0x830  }
0x130: {  	v18 =	vor.u32 $0x180, v17;
	vm4 =	vlt.u32 v16, $0x3100;
	v16 =	vld [tilespmem:s21+$0x0];
	v20 =	vmul.f32 v20, v51  }
0x131: {  	v23 =	vld.idx.msk [tilespmem:v19+s16+$0x0], vm0  }
0x132: {  	[tilespmem:v24+s18+$0x0] =	vst.idx.add.f32.msk vm2, v20  }
0x133: {  	v20 =	vld.idx.msk [tilespmem:v22+s16+$0x0], vm2  }
0x134: {  	v22 =	vld [tilespmem:$0x1FE90]  }
0x135: {  	v18 =	vld.idx.msk [tilespmem:v18+s16+$0x0], vm1;
	_ =	sdelay $0x3  }
0x136: {  	v23 =	vmul.f32 v23, v16  }
0x137: {  	v18 =	vmul.f32 v18, v21  }
0x138: {  	[tilespmem:v33+s18+$0x0] =	vst.idx.add.f32.msk vm0, v23  }
0x139: {  	v25 =	vor.u32 $0x200, v17;
	[tilespmem:v22+s18+$0x0] =	vst.idx.add.f32.msk vm1, v18  }
0x13a: {  	v27 =	vld [tilespmem:$0x1FE80];
	_ =	sdelay $0x3  }
0x13b: {  	v24 =	vor.u32 $0x180, v12;
	v22 =	vld.idx.msk [tilespmem:v25+s16+$0x0], vm1;
	_ =	sdelay $0x1  }
0x13c: {  	v20 =	vmul.f32 v20, v51  }
0x13d: {  	v18 =	vor.u32 $0x80, v19  }
0x13e: {  	[tilespmem:v27+s18+$0x0] =	vst.idx.add.f32.msk vm2, v20  }
0x13f: {  	v20 =	vmul.f32 v22, v21;
	v22 =	vld.idx.msk [tilespmem:v24+s16+$0x0], vm2  }
0x140: {  	v24 =	vld [tilespmem:$0x1FEB0]  }
0x141: {  	v26 =	vld [tilespmem:s21+$0xFFFFFFF0]  }
0x142: {  	v18 =	vld.idx.msk [tilespmem:v18+s16+$0x0], vm0  }
0x143: {  	v25 =	vld.idx.msk [tilespmem:v29+s16+$0x0], vm4;
	vm0 =	vmmov vm0;
	_ =	sdelay $0x3  }
0x144: {  	v18 =	vmul.f32 v18, v16  }
0x145: {  	[tilespmem:v24+s18+$0x0] =	vst.idx.add.f32.msk vm1, v20;
	v24 =	vmul.f32 v25, v26  }
0x146: {  	[tilespmem:v48+s18+$0x0] =	vst.idx.add.f32.msk vm0, v18  }
0x147: {  	[tilespmem:v46+s18+$0x0] =	vst.idx.add.f32.msk vm4, v24  }
0x148: {  	v27 =	vld [tilespmem:$0x1FEA0]  }
0x149: {  	v23 =	vor.u32 $0x280, v17  }
0x14a: {  	v20 =	vor.u32 $0x100, v19;
	_ =	sdelay $0x3  }
0x14b: {  	v22 =	vmul.f32 v22, v51;
	v25 =	vor.u32 $0x80, v29;
	v23 =	vld.idx.msk [tilespmem:v23+s16+$0x0], vm1  }
0x14c: {  	v20 =	vld.idx.msk [tilespmem:v20+s16+$0x0], vm0  }
0x14d: {  	[tilespmem:v27+s18+$0x0] =	vst.idx.add.f32.msk vm2, v22  }
0x14e: {  	v27 =	vld [tilespmem:$0x1FED0];
	_ =	sdelay $0x1  }
0x14f: {  	v22 =	vmul.f32 v23, v21;
	v23 =	vld.idx.msk [tilespmem:v25+s16+$0x0], vm4;
	v25 =	vor.u32 $0x100, v33;
	_ =	sdelay $0x2  }
0x150: {  	v20 =	vmul.f32 v20, v16;
	_ =	sdelay $0x1  }
0x151: {  	[tilespmem:v25+s18+$0x0] =	vst.idx.add.f32.msk vm0, v20  }
0x152: {  	[tilespmem:v27+s18+$0x0] =	vst.idx.add.f32.msk vm1, v22  }
0x153: {  	v28 =	vld [tilespmem:$0x1FF00]  }
0x154: {  	v22 =	vor.u32 $0x180, v19;
	_ =	sdelay $0x2  }
0x155: {  	vm3 =	vmmov vm1  }
0x156: {  	v24 =	vor.u32 $0x300, v17  }
0x157: {  	v20 =	vld.idx.msk [tilespmem:v22+s16+$0x0], vm0;
	v22 =	vmul.f32 v23, v26;
	_ =	sdelay $0x1  }
0x158: {  	[tilespmem:v28+s18+$0x0] =	vst.idx.add.f32.msk vm4, v22  }
0x159: {  	v30 =	vld [tilespmem:$0x1FEF0]  }
0x15a: {  	v24 =	vld.idx.msk [tilespmem:v24+s16+$0x0], vm3;
	_ =	sdelay $0x1  }
0x15b: {  	s22 =	simm.s32 $0x450  }
0x15c: {  	v27 =	vld [tilespmem:s22+$0x0]  }
0x15d: {  	v18 =	vor.u32 $0x200, v12  }
0x15e: {  	v24 =	vmul.f32 v24, v21;
	_ =	sdelay $0x1  }
0x15f: {  	v17 =	vor.u32 $0x380, v17;
	[tilespmem:v30+s18+$0x0] =	vst.idx.add.f32.msk vm3, v24  }
0x160: {  	v22 =	vsub.s32 v27, v0;
	v24 =	vand.u32 $0x7F, v27;
	v27 =	vld [tilespmem:$0x1FEC0]  }
0x161: {  	v18 =	vld.idx.msk [tilespmem:v18+s16+$0x0], vm2  }
0x162: {  	vm2 =	vmmov vm2;
	_ =	sdelay $0x1  }
0x163: {  	v17 =	vld.idx.msk [tilespmem:v17+s16+$0x0], vm3  }
0x164: {  	v20 =	vmul.f32 v20, v16  }
0x165: {  	v18 =	vmul.f32 v18, v51  }
0x166: {  	[tilespmem:v45+s18+$0x0] =	vst.idx.add.f32.msk vm0, v20  }
0x167: {  	[tilespmem:v27+s18+$0x0] =	vst.idx.add.f32.msk vm2, v18  }
0x168: {  	v17 =	vmul.f32 v17, v21;
	v21 =	vld [tilespmem:$0x1FF20];
	_ =	sdelay $0x1  }
0x169: {  	v28 =	vor.u32 $0x100, v29;
	_ =	sdelay $0x2  }
0x16a: {  	vm5 =	vlt.u32 v22, $0x3100;
	v22 =	vshll.u32 v22, $0x3  }
0x16b: {  	v22 =	vand.u32 $0xFFFFFC00, v22  }
0x16c: {  	v22 =	vor.u32 v24, v22;
	v24 =	vld.idx.msk [tilespmem:v28+s16+$0x0], vm4  }
0x16d: {  	[tilespmem:v21+s18+$0x0] =	vst.idx.add.f32.msk vm3, v17  }
0x16e: {  	v28 =	vld [tilespmem:$0x1FF10];
	_ =	sdelay $0x2  }
0x16f: {  	v23 =	vld [tilespmem:s22+$0xFFFFFFF0];
	_ =	sdelay $0x1  }
0x170: {  	v25 =	vor.u32 $0x280, v12  }
0x171: {  	v21 =	vmul.f32 v24, v26;
	_ =	sdelay $0x1  }
0x172: {  	v18 =	vsub.s32 v23, v0;
	[tilespmem:v28+s18+$0x0] =	vst.idx.add.f32.msk vm4, v21  }
0x173: {  	v20 =	vand.u32 $0x7F, v23;
	v23 =	vshll.u32 v18, $0x3;
	v30 =	vld [tilespmem:$0x1FEE0]  }
0x174: {  	vm6 =	vlt.u32 v18, $0x3100;
	v25 =	vld.idx.msk [tilespmem:v25+s16+$0x0], vm2;
	v18 =	vand.u32 $0xFFFFFC00, v23  }
0x175: {  	s23 =	simm.s32 $0x850;
	v27 =	vld.idx.msk [tilespmem:v22+s16+$0x0], vm5;
	v20 =	vor.u32 v20, v18  }
0x176: {  	v18 =	vld [tilespmem:s23+$0x0];
	_ =	sdelay $0x2  }
0x177: {  	v25 =	vmul.f32 v25, v51  }
0x178: {  	v23 =	vor.u32 $0x200, v19;
	v24 =	vld.idx.msk [tilespmem:v20+s16+$0x0], vm6  }
0x179: {  	[tilespmem:v30+s18+$0x0] =	vst.idx.add.f32.msk vm2, v25;
	v25 =	vmul.f32 v27, v18  }
0x17a: {  	v21 =	vld [tilespmem:s23+$0xFFFFFFF0]  }
0x17b: {  	[tilespmem:v8+s18+$0x0] =	vst.idx.add.f32.msk vm5, v25  }
0x17c: {  	v30 =	vld [tilespmem:$0x1FF50]  }
0x17d: {  	v23 =	vld.idx.msk [tilespmem:v23+s16+$0x0], vm0;
	_ =	sdelay $0x2  }
0x17e: {  	vm1 =	vmmov vm4  }
0x17f: {  	v17 =	vor.u32 $0x180, v29;
	v24 =	vmul.f32 v24, v21  }
0x180: {  	v23 =	vmul.f32 v23, v16  }
0x181: {  	v28 =	vor.u32 $0x80, v22;
	[tilespmem:v50+s18+$0x0] =	vst.idx.add.f32.msk vm6, v24  }
0x182: {  	[tilespmem:v30+s18+$0x0] =	vst.idx.add.f32.msk vm0, v23  }
0x183: {  	v31 =	vld [tilespmem:$0x1FF30]  }
0x184: {  	v17 =	vld.idx.msk [tilespmem:v17+s16+$0x0], vm1;
	_ =	sdelay $0x1  }
0x185: {  	v28 =	vld.idx.msk [tilespmem:v28+s16+$0x0], vm5  }
0x186: {  	vm4 =	vmmov vm2;
	vm2 =	vmmov vm5;
	_ =	sdelay $0x1  }
0x187: {  	v17 =	vmul.f32 v17, v26  }
0x188: {  	v27 =	vor.u32 $0x280, v19  }
0x189: {  	[tilespmem:v31+s18+$0x0] =	vst.idx.add.f32.msk vm1, v17;
	v17 =	vmul.f32 v28, v18  }
0x18a: {  	v25 =	vor.u32 $0x80, v20  }
0x18b: {  	[tilespmem:v49+s18+$0x0] =	vst.idx.add.f32.msk vm2, v17  }
0x18c: {  	v31 =	vld [tilespmem:$0x1FF70]  }
0x18d: {  	v27 =	vld.idx.msk [tilespmem:v27+s16+$0x0], vm0  }
0x18e: {  	vm0 =	vmmov vm0  }
0x18f: {  	v24 =	vld.idx.msk [tilespmem:v25+s16+$0x0], vm6  }
0x190: {  	v25 =	vor.u32 $0x100, v22;
	_ =	sdelay $0x1  }
0x191: {  	v17 =	vmul.f32 v27, v16  }
0x192: {  	v23 =	vor.u32 $0x200, v29  }
0x193: {  	v28 =	vor.u32 $0x300, v19;
	[tilespmem:v31+s18+$0x0] =	vst.idx.add.f32.msk vm0, v17;
	v17 =	vmul.f32 v24, v21  }
0x194: {  	v25 =	vld.idx.msk [tilespmem:v25+s16+$0x0], vm2  }
0x195: {  	[tilespmem:v47+s18+$0x0] =	vst.idx.add.f32.msk vm6, v17  }
0x196: {  	v34 =	vld [tilespmem:$0x1FF60]  }
0x197: {  	v23 =	vld.idx.msk [tilespmem:v23+s16+$0x0], vm1  }
0x198: {  	v24 =	vld.idx.msk [tilespmem:v28+s16+$0x0], vm0;
	v28 =	vor.u32 $0x100, v8;
	_ =	sdelay $0x2  }
0x199: {  	v25 =	vmul.f32 v25, v18  }
0x19a: {  	v23 =	vmul.f32 v23, v26  }
0x19b: {  	[tilespmem:v28+s18+$0x0] =	vst.idx.add.f32.msk vm2, v25  }
0x19c: {  	[tilespmem:v34+s18+$0x0] =	vst.idx.add.f32.msk vm1, v23  }
0x19d: {  	v28 =	vld [tilespmem:$0x1FF90];
	_ =	sdelay $0x4  }
0x19e: {  	v30 =	vor.u32 $0x300, v12  }
0x19f: {  	s24 =	simm.s32 $0x470;
	v23 =	vmul.f32 v24, v16  }
0x1a0: {  	v31 =	vld [tilespmem:s24+$0x0]  }
0x1a1: {  	v19 =	vor.u32 $0x380, v19;
	[tilespmem:v28+s18+$0x0] =	vst.idx.add.f32.msk vm0, v23  }
0x1a2: {  	v62 =	vld [tilespmem:$0x1FF40]  }
0x1a3: {  	v30 =	vld.idx.msk [tilespmem:v30+s16+$0x0], vm4;
	_ =	sdelay $0x2  }
0x1a4: {  	v24 =	vsub.s32 v31, v0;
	v28 =	vld.idx.msk [tilespmem:v19+s16+$0x0], vm0  }
0x1a5: {  	vm3 =	vmmov vm1;
	v17 =	vor.u32 $0x180, v22;
	v25 =	vshll.u32 v24, $0x3  }
0x1a6: {  	vm1 =	vlt.u32 v24, $0x3100;
	v24 =	vand.u32 $0xFFFFFC00, v25;
	v25 =	vmul.f32 v30, v51;
	_ =	sdelay $0x1  }
0x1a7: {  	[tilespmem:v62+s18+$0x0] =	vst.idx.add.f32.msk vm4, v25  }
0x1a8: {  	v16 =	vmul.f32 v28, v16;
	v28 =	vld [tilespmem:$0x1FFB0]  }
0x1a9: {  	v17 =	vld.idx.msk [tilespmem:v17+s16+$0x0], vm2;
	_ =	sdelay $0x4  }
0x1aa: {  	v17 =	vmul.f32 v17, v18  }
0x1ab: {  	s29 =	simm.s32 $0x70  }
0x1ac: {  	v25 =	vmov s29;
	[tilespmem:v28+s18+$0x0] =	vst.idx.add.f32.msk vm2, v17  }
0x1ad: {  	v28 =	vshll.u32 v25, $0x3;
	v25 =	vld [tilespmem:$0x1FFC0];
	_ =	sdelay $0x1  }
0x1ae: {  	v60 =	vld [tilespmem:s24+$0xFFFFFFF0];
	v27 =	vor.u32 $0x100, v20;
	_ =	sdelay $0x3  }
0x1af: {  	v23 =	vand.u32 $0x7F, v31  }
0x1b0: {  	v27 =	vld.idx.msk [tilespmem:v27+s16+$0x0], vm6;
	v24 =	vor.u32 v23, v24;
	v19 =	vsub.s32 v60, v0  }
0x1b1: {  	vm5 =	vmmov vm6;
	v31 =	vshll.u32 v19, $0x3;
	[tilespmem:v25+s18+$0x0] =	vst.idx.add.f32.msk vm0, v16  }
0x1b2: {  	v23 =	vand.u32 $0x7F, v60;
	vm6 =	vlt.u32 v19, $0x3100;
	v19 =	vand.u32 $0xFFFFFC00, v31;
	v52 =	vld [tilespmem:$0x1FFA0]  }
0x1b3: {  	s28 =	simm.s32 $0x870;
	v63 =	vor.u32 v23, v19  }
0x1b4: {  	v12 =	vor.u32 $0x380, v12;
	v19 =	vld [tilespmem:s28+$0x0]  }
0x1b5: {  	v23 =	vld.idx.msk [tilespmem:v24+s16+$0x0], vm1;
	v17 =	vor.u32 s29, v5  }
0x1b6: {  	v25 =	vand.u32 $0x7F, v17;
	v16 =	vand.u32 $0x1C00, v28  }
0x1b7: {  	v38 =	vor.u32 v25, v16  }
0x1b8: {  	v49 =	vld.idx.msk [tilespmem:v63+s16+$0x0], vm6;
	v16 =	vmul.f32 v27, v21  }
0x1b9: {  	s25 =	simm.s32 $0x60;
	v31 =	vld.idx.msk [tilespmem:v12+s16+$0x0], vm4;
	v12 =	vor.u32 $0x200, v22  }
0x1ba: {  	v17 =	vmov s25;
	[tilespmem:v52+s18+$0x0] =	vst.idx.add.f32.msk vm5, v16;
	v16 =	vmul.f32 v23, v19  }
0x1bb: {  	v27 =	vshll.u32 v17, $0x3;
	v17 =	vld [tilespmem:s28+$0xFFFFFFF0]  }
0x1bc: {  	[tilespmem:v38+s18+$0x0] =	vst.idx.add.f32.msk vm1, v16  }
0x1bd: {  	v36 =	vor.u32 s25, v5;
	v23 =	vld [tilespmem:$0x1FFE0]  }
0x1be: {  	v39 =	vand.u32 $0x6F, v36;
	v12 =	vld.idx.msk [tilespmem:v12+s16+$0x0], vm2;
	v37 =	vand.u32 $0x1C00, v27  }
0x1bf: {  	v40 =	vor.u32 v39, v37;
	_ =	sdelay $0x2  }
0x1c0: {  	v61 =	vor.u32 $0x280, v29;
	v33 =	vmul.f32 v49, v17  }
0x1c1: {  	v12 =	vmul.f32 v12, v18  }
0x1c2: {  	v50 =	vor.u32 $0x80, v24;
	[tilespmem:v40+s18+$0x0] =	vst.idx.add.f32.msk vm6, v33  }
0x1c3: {  	[tilespmem:v23+s18+$0x0] =	vst.idx.add.f32.msk vm2, v12  }
0x1c4: {  	v33 =	vld [tilespmem:$0x1FF80]  }
0x1c5: {  	v30 =	vld.idx.msk [tilespmem:v61+s16+$0x0], vm3;
	_ =	sdelay $0x1  }
0x1c6: {  	v16 =	vld.idx.msk [tilespmem:v50+s16+$0x0], vm1;
	_ =	sdelay $0x1  }
0x1c7: {  	v48 =	vor.u32 $0x180, v20  }
0x1c8: {  	v12 =	vmul.f32 v30, v26  }
0x1c9: {  	v42 =	vor.u32 $0x300, v29;
	v44 =	vor.u32 $0x200, v20  }
0x1ca: {  	v54 =	vor.u32 $0x80, v63;
	v56 =	vmul.f32 v16, v19;
	v16 =	vor.u32 $0x380, v20;
	[tilespmem:v33+s18+$0x0] =	vst.idx.add.f32.msk vm3, v12  }
0x1cb: {  	v23 =	vor.u32 $0x380, v29;
	v30 =	vor.u32 $0x280, v20;
	v29 =	vor.u32 $0x300, v20;
	v20 =	vld [tilespmem:$0x1FFD0]  }
0x1cc: {  	v53 =	vor.u32 $0x280, v22;
	v32 =	vld.idx.msk [tilespmem:v48+s16+$0x0], vm5;
	vm1 =	vmmov vm1  }
0x1cd: {  	v55 =	vor.u32 $0x80, v38;
	_ =	sdelay $0x2  }
0x1ce: {  	v37 =	vld.idx.msk [tilespmem:v54+s16+$0x0], vm6  }
0x1cf: {  	v32 =	vmul.f32 v32, v21;
	v43 =	vld.idx.msk [tilespmem:v53+s16+$0x0], vm2  }
0x1d0: {  	v35 =	vor.u32 $0x180, v63;
	v36 =	vor.u32 $0x280, v63;
	vm0 =	vmmov vm3;
	[tilespmem:v55+s18+$0x0] =	vst.idx.add.f32.msk vm1, v56  }
0x1d1: {  	v12 =	vor.u32 $0x100, v63;
	v33 =	vor.u32 $0x200, v63;
	[tilespmem:v20+s18+$0x0] =	vst.idx.add.f32.msk vm5, v32;
	v32 =	vmul.f32 v31, v51  }
0x1d2: {  	v20 =	vor.u32 $0x300, v63;
	v31 =	vor.u32 $0x380, v63;
	v63 =	vor.u32 v27, v39;
	v27 =	vld [tilespmem:$0x1FFF0]  }
0x1d3: {  	v58 =	vor.u32 $0x100, v24  }
0x1d4: {  	v57 =	vor.u32 $0x80, v40;
	vm2 =	vmmov vm2;
	_ =	sdelay $0x1  }
0x1d5: {  	vm8 =	vmmov vm4;
	v60 =	vor.u32 $0x300, v22;
	v59 =	vld.idx.msk [tilespmem:v44+s16+$0x0], vm5  }
0x1d6: {  	vm4 =	vmmov vm5;
	v62 =	vmul.f32 v37, v17;
	v61 =	vmul.f32 v43, v18;
	v43 =	vld.idx.msk [tilespmem:v42+s16+$0x0], vm0  }
0x1d7: {  	v47 =	vor.u32 $0x100, v38;
	v37 =	vor.u32 $0x180, v40;
	vm3 =	vmmov vm6;
	v46 =	vld.idx.msk [tilespmem:v58+s16+$0x0], vm1  }
0x1d8: {  	v42 =	vor.u32 $0x200, v40;
	vm7 =	vmmov vm3;
	v39 =	vor.u32 $0x100, v40;
	[tilespmem:v57+s18+$0x0] =	vst.idx.add.f32.msk vm6, v62  }
0x1d9: {  	v34 =	vor.u32 $0x380, v63;
	vm5 =	vmmov vm1;
	vm6 =	vmmov vm3;
	[tilespmem:v27+s18+$0x0] =	vst.idx.add.f32.msk vm2, v61  }
0x1da: {  	s30 =	simm.s32 $0x6;
	s31 =	simm.s32 $0x490;
	v45 =	vmul.f32 v59, v21;
	v27 =	vor.u32 $0x280, v40;
	v40 =	vor.u32 $0x300, v63;
	v44 =	vld.idx.msk [tilespmem:v60+s16+$0x0], vm2  }
.LBB2_6:
0x1db: {  	v48 =	vld [tilespmem:s31+$0x0];
	v49 =	vor.u32 $0x180, v24;
	v43 =	vmul.f32 v43, v26  }
0x1dc: {  	v51 =	vor.u32 $0x300, v8;
	v8 =	vmov v38;
	v50 =	vld [tilespmem:s31+$0xFFFFFFF0]  }
0x1dd: {  	v38 =	vmul.f32 v46, v19;
	v46 =	vor.u32 $0x380, v22;
	v22 =	vmov v24;
	v12 =	vld.idx.msk [tilespmem:v12+s16+$0x0], vm3  }
0x1de: {  	s30 =	sadd.s32 $0x2, s30;
	[tilespmem:v13+s18+$0x0] =	vst.idx.add.f32.msk vm4, v45;
	v13 =	vmov v42  }
0x1df: {  	p1 =	slt.u32 s30, $0x3E;
	v24 =	vmul.f32 v44, v18;
	[tilespmem:v47+s18+$0x0] =	vst.idx.add.f32.msk vm1, v38  }
0x1e0: {  	v38 =	vsub.s32 v48, v0;
	v42 =	vld.idx.msk [tilespmem:v49+s16+$0x0], vm1  }
0x1e1: {  	v44 =	vsub.s32 v50, v0;
	v45 =	vand.u32 $0x7F, v50;
	v47 =	vshll.u32 v38, $0x3;
	[tilespmem:v51+s18+$0x0] =	vst.idx.add.f32.msk vm2, v24  }
0x1e2: {  	vm10 =	vlt.u32 v38, $0x3100;
	v24 =	vand.u32 $0x7F, v48;
	v38 =	vand.u32 $0xFFFFFC00, v47;
	v46 =	vld.idx.msk [tilespmem:v46+s16+$0x0], vm2  }
0x1e3: {  	vm9 =	vlt.u32 v44, $0x3100;
	v44 =	vshll.u32 v44, $0x3;
	v24 =	vor.u32 v24, v38;
	v38 =	vld.idx.msk [tilespmem:v30+s16+$0x0], vm4;
	v30 =	vmovc v36  }
0x1e4: {  	v51 =	vor.u32 v7, v6;
	v6 =	vmovc v28;
	v36 =	vand.u32 $0xFFFFFC00, v44;
	v44 =	vor.u32 $0x180, v8;
	[tilespmem:v15+s18+$0x0] =	vst.idx.add.f32.msk vm0, v43  }
0x1e5: {  	v47 =	vor.u32 $0x380, v51;
	v43 =	vor.u32 v45, v36;
	v45 =	vmul.f32 v12, v17;
	v48 =	vld.idx.msk [tilespmem:v23+s16+$0x0], vm0;
	v23 =	vmovc v16  }
0x1e6: {  	s28 =	sadd.s32 $0x20, s28;
	v50 =	vor.u32 $0x200, v22;
	v7 =	vmovc v25;
	v49 =	vor.u32 $0x80, v43;
	v12 =	vor.u32 $0x100, v43;
	v16 =	vmovc v31;
	[tilespmem:v11+s18+$0x0] =	vst.idx.add.f32.msk vm8, v32  }
0x1e7: {  	v15 =	vmovc v41;
	v41 =	vmovc v40;
	v51 =	vor.u32 $0x180, v43;
	v52 =	vor.u32 $0x200, v43;
	v25 =	vmul.f32 v42, v19;
	v32 =	vld [tilespmem:s28+$0x0]  }
0x1e8: {  	s29 =	sadd.s32 $0x20, s29;
	v36 =	vor.u32 $0x280, v43;
	v53 =	vor.u32 $0x300, v43;
	v11 =	vmovc v10;
	v42 =	vmul.f32 v46, v18;
	v18 =	vmovc v19;
	v40 =	vld.idx.msk [tilespmem:v24+s16+$0x0], vm10  }
0x1e9: {  	s0 =	sadd.s32 $0xFFFFFFF0, s29;
	v31 =	vor.u32 $0x380, v43;
	v10 =	vmovc v9;
	v9 =	vmovc v34;
	v19 =	vmov s29;
	[tilespmem:v44+s18+$0x0] =	vst.idx.add.f32.msk vm1, v25;
	v44 =	vmul.f32 v38, v21  }
0x1ea: {  	v34 =	vor.u32 s29, v5;
	v28 =	vshll.u32 v19, $0x3;
	v25 =	vmov s0;
	[tilespmem:v47+s18+$0x0] =	vst.idx.add.f32.msk vm2, v42  }
0x1eb: {  	v54 =	vand.u32 $0x1C00, v28;
	v42 =	vshll.u32 v25, $0x3;
	v25 =	vand.u32 $0x7F, v34;
	v34 =	vld.idx.msk [tilespmem:v50+s16+$0x0], vm1  }
0x1ec: {  	v46 =	vor.u32 s0, v5;
	v47 =	vand.u32 $0x1C00, v42;
	v38 =	vor.u32 v25, v54;
	v43 =	vld.idx.msk [tilespmem:v43+s16+$0x0], vm9;
	v19 =	vmovc v32  }
0x1ed: {  	v46 =	vand.u32 $0x6F, v46;
	v50 =	vor.u32 $0x80, v24;
	v32 =	vmul.f32 v48, v26;
	v26 =	vmovc v21;
	v21 =	vmovc v17;
	v17 =	vld [tilespmem:s28+$0xFFFFFFF0]  }
0x1ee: {  	v47 =	vor.u32 v46, v47;
	v46 =	vor.u32 v42, v46;
	[tilespmem:v39+s18+$0x0] =	vst.idx.add.f32.msk vm3, v45;
	v45 =	vor.u32 $0x200, v8  }
0x1ef: {  	v56 =	vor.u32 $0x280, v22;
	v48 =	vor.u32 $0x80, v47;
	v54 =	vmul.f32 v40, v19;
	v55 =	vld.idx.msk [tilespmem:v35+s16+$0x0], vm3;
	v35 =	vmovc v51  }
0x1f0: {  	v42 =	vor.u32 $0x200, v47;
	v39 =	vor.u32 $0x100, v47;
	v51 =	vor.u32 $0x180, v47;
	[tilespmem:v14+s18+$0x0] =	vst.idx.add.f32.msk vm4, v44;
	v14 =	vmovc v27  }
0x1f1: {  	v40 =	vor.u32 $0x300, v46;
	v27 =	vor.u32 $0x280, v47;
	v44 =	vmul.f32 v34, v18;
	[tilespmem:v38+s18+$0x0] =	vst.idx.add.f32.msk vm10, v54  }
0x1f2: {  	vm2 =	vmmov vm1;
	v34 =	vor.u32 $0x380, v46;
	v43 =	vmul.f32 v43, v17;
	v46 =	vld.idx.msk [tilespmem:v50+s16+$0x0], vm10  }
0x1f3: {  	vm8 =	vmmov vm0;
	vm0 =	vmmov vm4;
	[tilespmem:v45+s18+$0x0] =	vst.idx.add.f32.msk vm1, v44;
	vm1 =	vmmov vm10  }
0x1f4: {  	vm4 =	vmmov vm3;
	vm3 =	vmmov vm9;
	v44 =	vld.idx.msk [tilespmem:v56+s16+$0x0], vm5;
	vm5 =	vmmov vm10  }
0x1f5: {  	v45 =	vor.u32 $0x80, v38;
	[tilespmem:v47+s18+$0x0] =	vst.idx.add.f32.msk vm9, v43;
	v43 =	vmul.f32 v55, v21  }
0x1f6: {  	v47 =	vld.idx.msk [tilespmem:v49+s16+$0x0], vm9;
	v49 =	vor.u32 $0x100, v24  }
0x1f7: {  	v50 =	vor.u32 $0x280, v8;
	[tilespmem:v37+s18+$0x0] =	vst.idx.add.f32.msk vm6, v43;
	v37 =	vmov v51;
	vm6 =	vmmov vm9  }
0x1f8: {  	v54 =	vor.u32 $0x300, v22;
	v46 =	vmul.f32 v46, v19;
	v51 =	vld.idx.msk [tilespmem:v33+s16+$0x0], vm7;
	v33 =	vmovc v52;
	vm7 =	vmmov vm9  }
0x1f9: {  	v43 =	vld.idx.msk [tilespmem:v29+s16+$0x0], vm0;
	v29 =	vmov v20;
	v20 =	vmov v53  }
.Ltmp2:
0x1fa: {  	v44 =	vmul.f32 v44, v18;
	[tilespmem:v45+s18+$0x0] =	vst.idx.add.f32.msk vm10, v46;
	(pc) =	sbr.rel @p1 .LBB2_6-.Ltmp2, $4  }
0x1fb: {  	v46 =	vld.idx.msk [tilespmem:v49+s16+$0x0], vm10  }
0x1fc: {  	v45 =	vmul.f32 v47, v17;
	[tilespmem:v50+s18+$0x0] =	vst.idx.add.f32.msk vm2, v44  }
0x1fd: {  	v44 =	vld.idx.msk [tilespmem:v54+s16+$0x0], vm2  }
0x1fe: {  	s31 =	sadd.s32 $0x20, s31;
	v47 =	vor.u32 $0x100, v38;
	[tilespmem:v48+s18+$0x0] =	vst.idx.add.f32.msk vm9, v45;
	v45 =	vmul.f32 v51, v21  }
0x1ff: {  	_ =	sdelay $0x4  }
0x200: {  	v12 =	vld.idx.msk [tilespmem:v12+s16+$0x0], vm3  }
0x201: {  	v48 =	vor.u32 $0x180, v24;
	_ =	sdelay $0x1  }
0x202: {  	v46 =	vmul.f32 v46, v19;
	_ =	sdelay $0x1  }
0x203: {  	[tilespmem:v47+s18+$0x0] =	vst.idx.add.f32.msk vm1, v46;
	v12 =	vmul.f32 v12, v17  }
0x204: {  	v46 =	vld.idx.msk [tilespmem:v48+s16+$0x0], vm1  }
0x205: {  	[tilespmem:v39+s18+$0x0] =	vst.idx.add.f32.msk vm3, v12  }
0x206: {  	v62 =	vor.u32 $0x180, v38;
	v12 =	vld.idx.msk [tilespmem:v35+s16+$0x0], vm3  }
0x207: {  	v63 =	vor.u32 $0x200, v24;
	_ =	sdelay $0x1  }
0x208: {  	v51 =	vmul.f32 v46, v19;
	_ =	sdelay $0x1  }
0x209: {  	[tilespmem:v62+s18+$0x0] =	vst.idx.add.f32.msk vm1, v51;
	v12 =	vmul.f32 v12, v17  }
0x20a: {  	v35 =	vld.idx.msk [tilespmem:v63+s16+$0x0], vm1  }
0x20b: {  	[tilespmem:v37+s18+$0x0] =	vst.idx.add.f32.msk vm6, v12  }
0x20c: {  	v52 =	vor.u32 $0x200, v38;
	v12 =	vld.idx.msk [tilespmem:v33+s16+$0x0], vm7  }
0x20d: {  	v53 =	vor.u32 $0x280, v24;
	vm3 =	vmmov vm3;
	_ =	sdelay $0x1  }
0x20e: {  	[tilespmem:v13+s18+$0x0] =	vst.idx.add.f32.msk vm4, v45;
	v54 =	vmul.f32 v35, v19  }
0x20f: {  	v8 =	vor.u32 $0x300, v8;
	v13 =	vld.idx.msk [tilespmem:v30+s16+$0x0], vm4  }
0x210: {  	v22 =	vor.u32 $0x380, v22;
	[tilespmem:v52+s18+$0x0] =	vst.idx.add.f32.msk vm1, v54;
	v12 =	vmul.f32 v12, v17  }
0x211: {  	v33 =	vld.idx.msk [tilespmem:v53+s16+$0x0], vm5  }
0x212: {  	v55 =	vmul.f32 v44, v18;
	vm1 =	vmmov vm1;
	[tilespmem:v42+s18+$0x0] =	vst.idx.add.f32.msk vm3, v12  }
0x213: {  	v30 =	vor.u32 $0x280, v38;
	v12 =	vld.idx.msk [tilespmem:v36+s16+$0x0], vm3  }
0x214: {  	v56 =	vor.u32 $0x300, v24;
	[tilespmem:v8+s18+$0x0] =	vst.idx.add.f32.msk vm2, v55;
	v13 =	vmul.f32 v13, v21  }
0x215: {  	v22 =	vld.idx.msk [tilespmem:v22+s16+$0x0], vm2  }
0x216: {  	[tilespmem:v14+s18+$0x0] =	vst.idx.add.f32.msk vm4, v13;
	v8 =	vmul.f32 v33, v19  }
0x217: {  	v13 =	vld.idx.msk [tilespmem:v29+s16+$0x0], vm4  }
0x218: {  	[tilespmem:v30+s18+$0x0] =	vst.idx.add.f32.msk vm1, v8;
	v12 =	vmul.f32 v12, v17  }
0x219: {  	v8 =	vld.idx.msk [tilespmem:v56+s16+$0x0], vm1  }
0x21a: {  	v29 =	vmul.f32 v43, v26;
	[tilespmem:v27+s18+$0x0] =	vst.idx.add.f32.msk vm3, v12  }
0x21b: {  	v57 =	vor.u32 $0x300, v38;
	v12 =	vld.idx.msk [tilespmem:v20+s16+$0x0], vm3  }
0x21c: {  	v24 =	vor.u32 $0x380, v24;
	[tilespmem:v15+s18+$0x0] =	vst.idx.add.f32.msk vm0, v29;
	v13 =	vmul.f32 v13, v21  }
0x21d: {  	v15 =	vld.idx.msk [tilespmem:v23+s16+$0x0], vm0;
	vm6 =	vmmov vm3  }
0x21e: {  	[tilespmem:v41+s18+$0x0] =	vst.idx.add.f32.msk vm4, v13;
	v8 =	vmul.f32 v8, v19  }
0x21f: {  	v58 =	vld.idx.msk [tilespmem:v16+s16+$0x0], vm4  }
0x220: {  	v6 =	vor.u32 v7, v6;
	[tilespmem:v57+s18+$0x0] =	vst.idx.add.f32.msk vm1, v8;
	v7 =	vmul.f32 v12, v17  }
0x221: {  	v6 =	vor.u32 $0x380, v6;
	vm0 =	vmmov vm0;
	v8 =	vld.idx.msk [tilespmem:v24+s16+$0x0], vm1  }
0x222: {  	v59 =	vor.u32 v25, v28;
	[tilespmem:v40+s18+$0x0] =	vst.idx.add.f32.msk vm3, v7  }
0x223: {  	vm5 =	vmmov vm4;
	v7 =	vor.u32 $0x380, v59;
	v60 =	vld.idx.msk [tilespmem:v31+s16+$0x0], vm6  }
0x224: {  	v61 =	vmul.f32 v22, v18  }
0x225: {  	[tilespmem:v11+s18+$0x0] =	vst.idx.add.f32.msk vm8, v32;
	v11 =	vmul.f32 v15, v26  }
0x226: {  	[tilespmem:v6+s18+$0x0] =	vst.idx.add.f32.msk vm2, v61;
	v6 =	vmul.f32 v8, v19  }
0x227: {  	[tilespmem:v10+s18+$0x0] =	vst.idx.add.f32.msk vm0, v11;
	v8 =	vmul.f32 v58, v21  }
0x228: {  	[tilespmem:v7+s18+$0x0] =	vst.idx.add.f32.msk vm1, v6;
	v6 =	vmul.f32 v60, v17  }
0x229: {  	[tilespmem:v9+s18+$0x0] =	vst.idx.add.f32.msk vm5, v8  }
0x22a: {  	s0 =	simm.s32 @p0 $0x0;
	s1 =	simm.s32 @p0 $0xC00;
	[tilespmem:v34+s18+$0x0] =	vst.idx.add.f32.msk vm6, v6  }
0x22b: {  	[tilespmem:s1], [sflag:$0x2] =	stream.linear.gather @p0 [hbm4b:s6+s0], $0x18800, $0x38;
	[tilespmem:$0x1FC00] =	vst v63  }
0x22c: {  	s0 =	simm.s32 @p0 $0x2  }
0x22d: {  	_ =	swait.ge @p0 [sflag:s0], $0x18800  }
0x22e: {  	[sflag:s0] =	ssyncset.done @p0 $0x0  }
0x22f: {  	s1 =	simm.s32 @!p0 $0xC00;
	[sflag:s0] =	ssyncadd.s32 @p0 $0xFFFE7800;
	s0 =	simm.s32 @!p0 $0x0  }
0x230: {  	[tilespmem:s1], [sflag:$0x2] =	stream.linear.gather @!p0 [hbm4b:s7+s0], $0x18000, $0x38;
	[tilespmem:$0x1FC00] =	vst v63  }
0x231: {  	s0 =	simm.s32 @!p0 $0x2  }
0x232: {  	_ =	swait.ge @!p0 [sflag:s0], $0x18000  }
0x233: {  	[sflag:s0] =	ssyncset.done @!p0 $0x0  }
0x234: {  	s22 =	simm.s32 $0x10;
	[sflag:s0] =	ssyncadd.s32 @!p0 $0xFFFE8000  }
0x235: {  	v6 =	vld [tilespmem:s22+$0x0];
	_ =	sdelay $0x2  }
0x236: {  	v7 =	vld [tilespmem:s22+$0xFFFFFFF0];
	_ =	sdelay $0x1  }
0x237: {  	v8 =	vsub.s32 v6, v1  }
0x238: {  	vm0 =	vgt.s32 v8, $0xFFFFFFFF;
	vm1 =	vlt.s32 v8, v2;
	v8 =	vshll.u32 v8, $0x3  }
0x239: {  	v6 =	vand.u32 $0x7F, v6;
	vm2 =	vmand vm0, vm1;
	v8 =	vand.u32 $0xFFFFFC00, v8  }
0x23a: {  	v9 =	vsub.s32 v7, v1;
	v7 =	vand.u32 $0x7F, v7;
	v11 =	vor.u32 v6, v8  }
0x23b: {  	vm0 =	vgt.s32 v9, $0xFFFFFFFF;
	vm1 =	vlt.s32 v9, v2;
	v6 =	vshll.u32 v9, $0x3  }
0x23c: {  	vm1 =	vmand vm0, vm1;
	v8 =	vmov s22;
	v6 =	vand.u32 $0xFFFFFC00, v6  }
0x23d: {  	v9 =	vshll.u32 v8, $0x3;
	v6 =	vor.u32 v7, v6;
	v7 =	vor.u32 s22, v5  }
0x23e: {  	s23 =	simm.s32 $0x0;
	v62 =	vand.u32 $0x7F, v7;
	v7 =	vand.u32 $0x1C00, v9  }
0x23f: {  	v8 =	vmov s23;
	v26 =	vor.u32 v62, v7;
	v10 =	vld.idx.msk [tilespmem:v11+s16+$0x0], vm2  }
0x240: {  	v63 =	vshll.u32 v8, $0x3;
	v8 =	vor.u32 $0x80, v11;
	v7 =	vor.u32 s23, v5  }
0x241: {  	v46 =	vand.u32 $0x1C00, v63;
	v21 =	vand.u32 $0x6F, v7  }
0x242: {  	v20 =	vor.u32 v21, v46;
	v7 =	vld.idx.msk [tilespmem:v6+s16+$0x0], vm1  }
0x243: {  	v47 =	vor.u32 $0x80, v6  }
0x244: {  	[tilespmem:v26+s18+$0x0] =	vst.idx.add.f32.msk vm2, v10  }
0x245: {  	v32 =	vor.u32 $0x80, v26;
	v8 =	vld.idx.msk [tilespmem:v8+s16+$0x0], vm2  }
0x246: {  	v48 =	vor.u32 $0x100, v11  }
0x247: {  	[tilespmem:v20+s18+$0x0] =	vst.idx.add.f32.msk vm1, v7  }
0x248: {  	v10 =	vor.u32 $0x80, v20;
	v7 =	vld.idx.msk [tilespmem:v47+s16+$0x0], vm1;
	_ =	sdelay $0x1  }
0x249: {  	v49 =	vor.u32 $0x100, v6;
	[tilespmem:v32+s18+$0x0] =	vst.idx.add.f32.msk vm2, v8  }
0x24a: {  	v50 =	vor.u32 $0x100, v26;
	v8 =	vld.idx.msk [tilespmem:v48+s16+$0x0], vm2  }
0x24b: {  	[tilespmem:$0x1FDC0] =	vst v10  }
0x24c: {  	s24 =	simm.s32 $0x30;
	v17 =	vor.u32 $0x180, v11;
	[tilespmem:v10+s18+$0x0] =	vst.idx.add.f32.msk vm1, v7  }
0x24d: {  	vm0 =	vmmov vm1;
	v7 =	vld [tilespmem:s24+$0x0]  }
0x24e: {  	v16 =	vor.u32 $0x100, v20;
	v18 =	vld.idx.msk [tilespmem:v49+s16+$0x0], vm1  }
0x24f: {  	v19 =	vor.u32 $0x180, v6;
	[tilespmem:v50+s18+$0x0] =	vst.idx.add.f32.msk vm2, v8  }
0x250: {  	vm1 =	vmmov vm2;
	v8 =	vld [tilespmem:s24+$0xFFFFFFF0]  }
0x251: {  	vm4 =	vmmov vm6;
	v23 =	vor.u32 $0x180, v26;
	v13 =	vld.idx.msk [tilespmem:v17+s16+$0x0], vm2  }
0x252: {  	vm3 =	vmmov vm5;
	v24 =	vor.u32 $0x200, v6;
	v17 =	vor.u32 $0x200, v11;
	[tilespmem:$0x1FDD0] =	vst v16  }
0x253: {  	v28 =	vor.u32 $0x200, v26;
	v10 =	vor.u32 $0x180, v20;
	v22 =	vsub.s32 v7, v1;
	[tilespmem:v16+s18+$0x0] =	vst.idx.add.f32.msk vm0, v18  }
0x254: {  	vm2 =	vgt.s32 v22, $0xFFFFFFFF;
	vm3 =	vlt.s32 v22, v2;
	v18 =	vld.idx.msk [tilespmem:v19+s16+$0x0], vm0;
	v19 =	vshll.u32 v22, $0x3  }
0x255: {  	v7 =	vand.u32 $0x7F, v7;
	vm2 =	vmand vm2, vm3;
	v19 =	vand.u32 $0xFFFFFC00, v19  }
0x256: {  	v22 =	vsub.s32 v8, v1;
	v8 =	vand.u32 $0x7F, v8;
	v7 =	vor.u32 v7, v19;
	[tilespmem:v23+s18+$0x0] =	vst.idx.add.f32.msk vm1, v13  }
0x257: {  	vm3 =	vgt.s32 v22, $0xFFFFFFFF;
	v51 =	vshll.u32 v22, $0x3;
	vm4 =	vlt.s32 v22, v2;
	v17 =	vld.idx.msk [tilespmem:v17+s16+$0x0], vm1  }
0x258: {  	v19 =	vor.u32 $0x280, v11;
	v13 =	vand.u32 $0xFFFFFC00, v51;
	vm4 =	vmand vm3, vm4;
	[tilespmem:$0x1FDE0] =	vst v10  }
0x259: {  	v22 =	vmov s24;
	[tilespmem:v10+s18+$0x0] =	vst.idx.add.f32.msk vm0, v18;
	v8 =	vor.u32 v8, v13  }
0x25a: {  	v31 =	vshll.u32 v22, $0x3;
	v18 =	vor.u32 s24, v5;
	v10 =	vor.u32 $0x200, v20;
	v22 =	vld.idx.msk [tilespmem:v24+s16+$0x0], vm0  }
0x25b: {  	s25 =	simm.s32 $0x20;
	v43 =	vand.u32 $0x7F, v18;
	v18 =	vand.u32 $0x1C00, v31;
	v25 =	vld.idx.msk [tilespmem:v7+s16+$0x0], vm2  }
0x25c: {  	v24 =	vor.u32 v43, v18;
	v18 =	vmov s25;
	[tilespmem:v28+s18+$0x0] =	vst.idx.add.f32.msk vm1, v17  }
0x25d: {  	v40 =	vshll.u32 v18, $0x3;
	v18 =	vor.u32 s25, v5;
	v17 =	vor.u32 $0x80, v7;
	v19 =	vld.idx.msk [tilespmem:v19+s16+$0x0], vm1  }
0x25e: {  	v30 =	vor.u32 $0x280, v26;
	v27 =	vand.u32 $0x1C00, v40;
	v44 =	vand.u32 $0x6F, v18;
	v18 =	vld.idx.msk [tilespmem:v8+s16+$0x0], vm4;
	[tilespmem:$0x1FDF0] =	vst v10  }
0x25f: {  	s28 =	simm.s32 $0x50;
	v34 =	vor.u32 v44, v27;
	[tilespmem:v10+s18+$0x0] =	vst.idx.add.f32.msk vm0, v22  }
0x260: {  	v29 =	vor.u32 $0x300, v11;
	v57 =	vld [tilespmem:s28+$0xFFFFFFF0]  }
0x261: {  	v22 =	vor.u32 $0x80, v8;
	[tilespmem:v24+s18+$0x0] =	vst.idx.add.f32.msk vm2, v25  }
0x262: {  	v25 =	vor.u32 $0x280, v6;
	v17 =	vld.idx.msk [tilespmem:v17+s16+$0x0], vm2  }
0x263: {  	v35 =	vor.u32 $0x80, v24;
	[tilespmem:v30+s18+$0x0] =	vst.idx.add.f32.msk vm1, v19  }
0x264: {  	v19 =	vor.u32 $0x100, v7;
	[tilespmem:v34+s18+$0x0] =	vst.idx.add.f32.msk vm4, v18  }
0x265: {  	v27 =	vor.u32 $0x300, v26;
	v29 =	vld.idx.msk [tilespmem:v29+s16+$0x0], vm1  }
0x266: {  	v11 =	vor.u32 $0x380, v11;
	v18 =	vld.idx.msk [tilespmem:v22+s16+$0x0], vm4  }
0x267: {  	v33 =	vor.u32 $0x80, v34;
	v22 =	vld.idx.msk [tilespmem:v25+s16+$0x0], vm0  }
0x268: {  	v25 =	vor.u32 $0x100, v8;
	[tilespmem:v35+s18+$0x0] =	vst.idx.add.f32.msk vm2, v17  }
0x269: {  	v17 =	vld.idx.msk [tilespmem:v19+s16+$0x0], vm2  }
0x26a: {  	v9 =	vor.u32 v62, v9;
	v52 =	vor.u32 $0x100, v24;
	[tilespmem:v27+s18+$0x0] =	vst.idx.add.f32.msk vm1, v29  }
0x26b: {  	v19 =	vor.u32 $0x380, v9;
	v11 =	vld.idx.msk [tilespmem:v11+s16+$0x0], vm1  }
0x26c: {  	vm3 =	vmmov vm4;
	v29 =	vor.u32 $0x180, v7;
	[tilespmem:v33+s18+$0x0] =	vst.idx.add.f32.msk vm4, v18  }
0x26d: {  	v53 =	vor.u32 $0x100, v34;
	v9 =	vld.idx.msk [tilespmem:v25+s16+$0x0], vm4  }
0x26e: {  	v54 =	vor.u32 $0x180, v8;
	v25 =	vld [tilespmem:s28+$0x0];
	vm4 =	vmmov vm0  }
0x26f: {  	v55 =	vor.u32 $0x280, v20;
	[tilespmem:v52+s18+$0x0] =	vst.idx.add.f32.msk vm2, v17  }
0x270: {  	v56 =	vor.u32 $0x300, v6;
	v59 =	vor.u32 $0x200, v8;
	vm0 =	vmmov vm2;
	[tilespmem:v19+s18+$0x0] =	vst.idx.add.f32.msk vm1, v11  }
0x271: {  	v58 =	vor.u32 $0x180, v34;
	v60 =	vsub.s32 v57, v1;
	v36 =	vld.idx.msk [tilespmem:v29+s16+$0x0], vm2;
	v29 =	vor.u32 $0x180, v24;
	[tilespmem:$0x1FE00] =	vst v53  }
0x272: {  	v6 =	vor.u32 $0x380, v6;
	vm5 =	vlt.s32 v60, v2;
	[tilespmem:v53+s18+$0x0] =	vst.idx.add.f32.msk vm3, v9;
	v9 =	vor.u32 $0x200, v7  }
0x273: {  	v11 =	vor.u32 v63, v21;
	v21 =	vsub.s32 v25, v1;
	v25 =	vand.u32 $0x7F, v25;
	v37 =	vld.idx.msk [tilespmem:v54+s16+$0x0], vm3;
	[tilespmem:$0x1FE10] =	vst v55  }
0x274: {  	vm1 =	vgt.s32 v21, $0xFFFFFFFF;
	vm2 =	vlt.s32 v21, v2;
	v21 =	vshll.u32 v21, $0x3;
	[tilespmem:v55+s18+$0x0] =	vst.idx.add.f32.msk vm4, v22  }
0x275: {  	v10 =	vor.u32 $0x300, v11;
	vm1 =	vmand vm1, vm2;
	v21 =	vand.u32 $0xFFFFFC00, v21;
	v22 =	vld.idx.msk [tilespmem:v56+s16+$0x0], vm4  }
0x276: {  	vm2 =	vgt.s32 v60, $0xFFFFFFFF;
	[tilespmem:v29+s18+$0x0] =	vst.idx.add.f32.msk vm0, v36;
	v36 =	vor.u32 v25, v21;
	v25 =	vshll.u32 v60, $0x3  }
0x277: {  	v15 =	vand.u32 $0x7F, v57;
	vm5 =	vmand vm2, vm5;
	v25 =	vand.u32 $0xFFFFFC00, v25;
	v9 =	vld.idx.msk [tilespmem:v9+s16+$0x0], vm0;
	[tilespmem:$0x1FE20] =	vst v58  }
0x278: {  	v47 =	vor.u32 v15, v25;
	[tilespmem:v58+s18+$0x0] =	vst.idx.add.f32.msk vm3, v37  }
0x279: {  	v62 =	vmov s28;
	v21 =	vor.u32 $0x200, v24;
	v63 =	vld.idx.msk [tilespmem:v59+s16+$0x0], vm3;
	[tilespmem:$0x1FE30] =	vst v10  }
0x27a: {  	v61 =	vor.u32 $0x280, v7;
	v25 =	vor.u32 s28, v5;
	v37 =	vshll.u32 v62, $0x3;
	[tilespmem:v10+s18+$0x0] =	vst.idx.add.f32.msk vm4, v22  }
0x27b: {  	v38 =	vand.u32 $0x7F, v25;
	v25 =	vand.u32 $0x1C00, v37;
	v10 =	vor.u32 $0x200, v34;
	v22 =	vld.idx.msk [tilespmem:v36+s16+$0x0], vm1  }
0x27c: {  	v39 =	vor.u32 v38, v25;
	v42 =	vld.idx.msk [tilespmem:v6+s16+$0x0], vm4  }
0x27d: {  	s31 =	simm.s32 $0x40;
	v12 =	vor.u32 $0x80, v36;
	v49 =	vld.idx.msk [tilespmem:v47+s16+$0x0], vm5  }
0x27e: {  	v51 =	vor.u32 $0x280, v8;
	[tilespmem:v21+s18+$0x0] =	vst.idx.add.f32.msk vm0, v9;
	v9 =	vmov s31  }
0x27f: {  	v13 =	vor.u32 s31, v5;
	v25 =	vor.u32 $0x280, v24;
	v41 =	vld.idx.msk [tilespmem:v61+s16+$0x0], vm0;
	v9 =	vshll.u32 v9, $0x3;
	[tilespmem:$0x1FE40] =	vst v10  }
0x280: {  	v50 =	vor.u32 $0x300, v7;
	v48 =	vand.u32 $0x6F, v13;
	v6 =	vand.u32 $0x1C00, v9;
	[tilespmem:v10+s18+$0x0] =	vst.idx.add.f32.msk vm3, v63  }
0x281: {  	v52 =	vor.u32 v48, v6;
	[tilespmem:v39+s18+$0x0] =	vst.idx.add.f32.msk vm1, v22  }
0x282: {  	v14 =	vor.u32 $0x80, v47;
	v46 =	vld.idx.msk [tilespmem:v12+s16+$0x0], vm1  }
0x283: {  	v31 =	vor.u32 v43, v31;
	v44 =	vor.u32 v40, v44;
	v54 =	vor.u32 $0x80, v39;
	v58 =	vld.idx.msk [tilespmem:v51+s16+$0x0], vm3  }
0x284: {  	v40 =	vor.u32 $0x380, v8;
	vm2 =	vmmov vm5;
	v55 =	vor.u32 $0x100, v36;
	[tilespmem:v25+s18+$0x0] =	vst.idx.add.f32.msk vm0, v41  }
0x285: {  	v15 =	vor.u32 $0x380, v7;
	v7 =	vor.u32 $0x380, v44;
	v22 =	vor.u32 $0x300, v24;
	v50 =	vld.idx.msk [tilespmem:v50+s16+$0x0], vm0  }
0x286: {  	v56 =	vor.u32 $0x180, v47;
	v62 =	vor.u32 $0x100, v47;
	v9 =	vor.u32 v9, v48;
	[tilespmem:v52+s18+$0x0] =	vst.idx.add.f32.msk vm5, v49  }
0x287: {  	v6 =	vor.u32 $0x380, v11;
	v10 =	vor.u32 $0x280, v34;
	v60 =	vor.u32 $0x80, v52;
	v45 =	vld.idx.msk [tilespmem:v14+s16+$0x0], vm5  }
0x288: {  	v63 =	vor.u32 $0x100, v39;
	v57 =	vor.u32 $0x100, v52;
	v53 =	vor.u32 $0x180, v52;
	[tilespmem:v54+s18+$0x0] =	vst.idx.add.f32.msk vm1, v46  }
0x289: {  	v51 =	vor.u32 $0x200, v47;
	vm3 =	vmmov vm3;
	v41 =	vor.u32 $0x300, v8;
	v61 =	vld.idx.msk [tilespmem:v55+s16+$0x0], vm1  }
0x28a: {  	v8 =	vor.u32 $0x300, v44;
	v46 =	vor.u32 $0x200, v52;
	v55 =	vor.u32 $0x280, v52;
	[tilespmem:v22+s18+$0x0] =	vst.idx.add.f32.msk vm0, v50  }
0x28b: {  	v52 =	vor.u32 $0x380, v9;
	v50 =	vor.u32 $0x300, v9;
	v9 =	vor.u32 $0x180, v36;
	v59 =	vld.idx.msk [tilespmem:v15+s16+$0x0], vm0  }
0x28c: {  	v43 =	vmovc v7;
	v44 =	vor.u32 $0x280, v47;
	v48 =	vmovc v8;
	v54 =	vor.u32 $0x300, v47;
	[tilespmem:v60+s18+$0x0] =	vst.idx.add.f32.msk vm2, v45;
	v60 =	vor.u32 $0x380, v31  }
0x28d: {  	s29 =	simm.s32 $0x4;
	s30 =	simm.s32 $0x70;
	v49 =	vmovc v10;
	v47 =	vor.u32 $0x380, v47;
	vm5 =	vmmov vm4;
	vm4 =	vmmov vm2;
	v45 =	vmovc v6;
	v62 =	vld.idx.msk [tilespmem:v62+s16+$0x0], vm2;
	[tilespmem:$0x1FE50] =	vst v10  }
.LBB2_8:
0x28e: {  	v11 =	vld [tilespmem:s30+$0x0]  }
0x28f: {  	[tilespmem:v63+s18+$0x0] =	vst.idx.add.f32.msk vm1, v61  }
0x290: {  	v9 =	vld.idx.msk [tilespmem:v9+s16+$0x0], vm1  }
0x291: {  	s29 =	sadd.s32 $0x2, s29;
	[tilespmem:v60+s18+$0x0] =	vst.idx.add.f32.msk vm0, v59;
	vm0 =	vmmov vm1  }
0x292: {  	p1 =	slt.u32 s29, $0x3E;
	v60 =	vor.u32 $0x180, v39;
	v59 =	vld [tilespmem:s30+$0xFFFFFFF0]  }
0x293: {  	[tilespmem:v57+s18+$0x0] =	vst.idx.add.f32.msk vm2, v62;
	v57 =	vor.u32 $0x200, v36  }
0x294: {  	v56 =	vld.idx.msk [tilespmem:v56+s16+$0x0], vm2  }
0x295: {  	v61 =	vsub.s32 v11, v1;
	[tilespmem:v49+s18+$0x0] =	vst.idx.add.f32.msk vm3, v58;
	v49 =	vmov v55  }
0x296: {  	vm1 =	vgt.s32 v61, $0xFFFFFFFF;
	vm6 =	vlt.s32 v61, v2;
	v55 =	vshll.u32 v61, $0x3;
	v58 =	vld.idx.msk [tilespmem:v41+s16+$0x0], vm3;
	v41 =	vmovc v54  }
0x297: {  	v11 =	vand.u32 $0x7F, v11;
	vm1 =	vmand vm1, vm6;
	v54 =	vand.u32 $0xFFFFFC00, v55;
	[tilespmem:v60+s18+$0x0] =	vst.idx.add.f32.msk vm0, v9  }
0x298: {  	v9 =	vsub.s32 v59, v1;
	v55 =	vand.u32 $0x7F, v59;
	v11 =	vor.u32 v11, v54;
	v54 =	vld.idx.msk [tilespmem:v57+s16+$0x0], vm0  }
0x299: {  	v59 =	vor.u32 $0x200, v39;
	vm6 =	vgt.s32 v9, $0xFFFFFFFF;
	v57 =	vshll.u32 v9, $0x3;
	[tilespmem:v45+s18+$0x0] =	vst.idx.add.f32.msk vm5, v42;
	v45 =	vmovc v43;
	v43 =	vmovc v52  }
0x29a: {  	s28 =	sadd.s32 $0x20, s28;
	vm5 =	vlt.s32 v9, v2;
	v9 =	vand.u32 $0xFFFFFC00, v57;
	v42 =	vor.u32 $0x280, v36;
	[tilespmem:v53+s18+$0x0] =	vst.idx.add.f32.msk vm2, v56  }
0x29b: {  	s0 =	sadd.s32 $0xFFFFFFF0, s28;
	v52 =	vmov s28;
	vm6 =	vmand vm6, vm5;
	v9 =	vor.u32 v55, v9;
	v55 =	vld.idx.msk [tilespmem:v51+s16+$0x0], vm2  }
0x29c: {  	v53 =	vor.u32 s28, v5;
	v60 =	vshll.u32 v52, $0x3;
	v51 =	vmov s0;
	[tilespmem:v48+s18+$0x0] =	vst.idx.add.f32.msk vm3, v58;
	v48 =	vmovc v50  }
0x29d: {  	v62 =	vand.u32 $0x7F, v53;
	v50 =	vshll.u32 v51, $0x3;
	v51 =	vand.u32 $0x1C00, v60;
	v52 =	vld.idx.msk [tilespmem:v11+s16+$0x0], vm1  }
0x29e: {  	v53 =	vor.u32 s0, v5;
	v56 =	vand.u32 $0x1C00, v50;
	v58 =	vor.u32 v62, v51;
	[tilespmem:v59+s18+$0x0] =	vst.idx.add.f32.msk vm0, v54  }
0x29f: {  	v63 =	vor.u32 $0x80, v11;
	v61 =	vor.u32 $0x80, v9;
	v59 =	vand.u32 $0x6F, v53;
	v12 =	vld.idx.msk [tilespmem:v42+s16+$0x0], vm0  }
0x2a0: {  	v15 =	vor.u32 $0x280, v39;
	v14 =	vor.u32 $0x100, v9;
	v13 =	vor.u32 v59, v56;
	v42 =	vld.idx.msk [tilespmem:v40+s16+$0x0], vm3;
	v40 =	vmovc v47  }
0x2a1: {  	v18 =	vor.u32 $0x300, v36;
	v17 =	vor.u32 $0x80, v13;
	v57 =	vor.u32 $0x100, v13;
	v16 =	vld.idx.msk [tilespmem:v9+s16+$0x0], vm6  }
0x2a2: {  	v51 =	vor.u32 $0x200, v9;
	v56 =	vor.u32 $0x180, v9;
	v53 =	vor.u32 $0x180, v13;
	[tilespmem:v46+s18+$0x0] =	vst.idx.add.f32.msk vm2, v55  }
0x2a3: {  	v10 =	vor.u32 $0x280, v9;
	v46 =	vor.u32 $0x200, v13;
	v55 =	vor.u32 $0x280, v13;
	[tilespmem:v58+s18+$0x0] =	vst.idx.add.f32.msk vm1, v52  }
0x2a4: {  	v54 =	vor.u32 $0x300, v9;
	v47 =	vor.u32 $0x380, v9;
	v52 =	vor.u32 v50, v59;
	v9 =	vld.idx.msk [tilespmem:v63+s16+$0x0], vm1  }
0x2a5: {  	v59 =	vor.u32 $0x80, v58;
	v50 =	vor.u32 $0x300, v52;
	v52 =	vor.u32 $0x380, v52;
	[tilespmem:v15+s18+$0x0] =	vst.idx.add.f32.msk vm0, v12  }
0x2a6: {  	vm5 =	vmmov vm3;
	vm3 =	vmmov vm2;
	v12 =	vor.u32 $0x100, v11;
	v15 =	vld.idx.msk [tilespmem:v18+s16+$0x0], vm0  }
0x2a7: {  	vm2 =	vmmov vm6;
	[tilespmem:v13+s18+$0x0] =	vst.idx.add.f32.msk vm6, v16;
	v13 =	vor.u32 $0x300, v39;
	v39 =	vmov v58  }
0x2a8: {  	v18 =	vor.u32 $0x380, v36;
	v36 =	vmov v11;
	v16 =	vld.idx.msk [tilespmem:v61+s16+$0x0], vm6  }
0x2a9: {  	v58 =	vld.idx.msk [tilespmem:v44+s16+$0x0], vm4;
	v44 =	vmov v10;
	vm4 =	vmmov vm6  }
0x2aa: {  	[tilespmem:v59+s18+$0x0] =	vst.idx.add.f32.msk vm1, v9  }
.Ltmp3:
0x2ab: {  	v61 =	vld.idx.msk [tilespmem:v12+s16+$0x0], vm1;
	(pc) =	sbr.rel @p1 .LBB2_8-.Ltmp3, $4  }
0x2ac: {  	v63 =	vor.u32 $0x100, v39;
	[tilespmem:v13+s18+$0x0] =	vst.idx.add.f32.msk vm0, v15  }
0x2ad: {  	v10 =	vor.u32 v38, v37;
	v37 =	vmovc v60;
	v38 =	vmov v62;
	v9 =	vor.u32 $0x180, v36;
	v59 =	vld.idx.msk [tilespmem:v18+s16+$0x0], vm0  }
0x2ae: {  	v60 =	vor.u32 $0x380, v10;
	[tilespmem:v17+s18+$0x0] =	vst.idx.add.f32.msk vm6, v16  }
0x2af: {  	s30 =	sadd.s32 $0x20, s30;
	v62 =	vld.idx.msk [tilespmem:v14+s16+$0x0], vm6  }
0x2b0: {  	_ =	sdelay $0x4  }
0x2b1: {  	[tilespmem:v63+s18+$0x0] =	vst.idx.add.f32.msk vm1, v61  }
0x2b2: {  	v10 =	vor.u32 $0x180, v39;
	v9 =	vld.idx.msk [tilespmem:v9+s16+$0x0], vm1  }
0x2b3: {  	v11 =	vor.u32 $0x200, v36;
	[tilespmem:v57+s18+$0x0] =	vst.idx.add.f32.msk vm2, v62  }
0x2b4: {  	v12 =	vld.idx.msk [tilespmem:v56+s16+$0x0], vm2;
	_ =	sdelay $0x2  }
0x2b5: {  	[tilespmem:v10+s18+$0x0] =	vst.idx.add.f32.msk vm1, v9  }
0x2b6: {  	v10 =	vor.u32 $0x200, v39;
	v9 =	vld.idx.msk [tilespmem:v11+s16+$0x0], vm1  }
0x2b7: {  	v11 =	vor.u32 $0x280, v36;
	[tilespmem:v53+s18+$0x0] =	vst.idx.add.f32.msk vm2, v12  }
0x2b8: {  	v12 =	vld.idx.msk [tilespmem:v51+s16+$0x0], vm2;
	_ =	sdelay $0x2  }
0x2b9: {  	vm6 =	vmmov vm1;
	[tilespmem:v10+s18+$0x0] =	vst.idx.add.f32.msk vm1, v9  }
0x2ba: {  	v10 =	vor.u32 $0x280, v39;
	v9 =	vld.idx.msk [tilespmem:v11+s16+$0x0], vm1  }
0x2bb: {  	v11 =	vor.u32 $0x300, v36;
	[tilespmem:v46+s18+$0x0] =	vst.idx.add.f32.msk vm2, v12  }
0x2bc: {  	v12 =	vld.idx.msk [tilespmem:v44+s16+$0x0], vm4  }
0x2bd: {  	[tilespmem:v49+s18+$0x0] =	vst.idx.add.f32.msk vm3, v58  }
0x2be: {  	v13 =	vld.idx.msk [tilespmem:v41+s16+$0x0], vm3  }
0x2bf: {  	[tilespmem:v10+s18+$0x0] =	vst.idx.add.f32.msk vm6, v9  }
0x2c0: {  	v10 =	vor.u32 $0x300, v39;
	v9 =	vld.idx.msk [tilespmem:v11+s16+$0x0], vm6  }
0x2c1: {  	vm1 =	vmmov vm2;
	v11 =	vor.u32 $0x380, v36;
	[tilespmem:v55+s18+$0x0] =	vst.idx.add.f32.msk vm2, v12  }
0x2c2: {  	v12 =	vld.idx.msk [tilespmem:v54+s16+$0x0], vm2  }
0x2c3: {  	[tilespmem:v48+s18+$0x0] =	vst.idx.add.f32.msk vm3, v13  }
0x2c4: {  	v13 =	vld.idx.msk [tilespmem:v40+s16+$0x0], vm3  }
0x2c5: {  	vm2 =	vmmov vm3;
	[tilespmem:v10+s18+$0x0] =	vst.idx.add.f32.msk vm6, v9  }
0x2c6: {  	v9 =	vor.u32 v38, v37;
	v10 =	vld.idx.msk [tilespmem:v11+s16+$0x0], vm6  }
0x2c7: {  	v9 =	vor.u32 $0x380, v9;
	[tilespmem:v50+s18+$0x0] =	vst.idx.add.f32.msk vm1, v12  }
0x2c8: {  	v11 =	vld.idx.msk [tilespmem:v47+s16+$0x0], vm1  }
0x2c9: {  	[tilespmem:v45+s18+$0x0] =	vst.idx.add.f32.msk vm5, v42  }
0x2ca: {  	[tilespmem:v60+s18+$0x0] =	vst.idx.add.f32.msk vm0, v59  }
0x2cb: {  	[tilespmem:v43+s18+$0x0] =	vst.idx.add.f32.msk vm2, v13  }
0x2cc: {  	[tilespmem:v9+s18+$0x0] =	vst.idx.add.f32.msk vm6, v10  }
0x2cd: {  	s0 =	simm.s32 $0x410;
	[tilespmem:v52+s18+$0x0] =	vst.idx.add.f32.msk vm1, v11  }
0x2ce: {  	v9 =	vld [tilespmem:s0+$0x0];
	_ =	sdelay $0x4  }
0x2cf: {  	vm3 =	vmmov vm1;
	v10 =	vsub.s32 v9, v1  }
0x2d0: {  	vm0 =	vgt.s32 v10, $0xFFFFFFFF;
	vm1 =	vlt.s32 v10, v2;
	v10 =	vshll.u32 v10, $0x3  }
0x2d1: {  	v9 =	vand.u32 $0x7F, v9;
	vm0 =	vmand vm0, vm1;
	v10 =	vand.u32 $0xFFFFFC00, v10  }
0x2d2: {  	v9 =	vor.u32 v9, v10;
	_ =	sdelay $0x1  }
0x2d3: {  	s1 =	simm.s32 $0x810  }
0x2d4: {  	v47 =	vld [tilespmem:s1+$0x0]  }
0x2d5: {  	v10 =	vld [tilespmem:s0+$0xFFFFFFF0]  }
0x2d6: {  	v11 =	vld.idx.msk [tilespmem:v9+s16+$0x0], vm0;
	_ =	sdelay $0x2  }
0x2d7: {  	v12 =	vor.u32 $0x80, v9;
	_ =	sdelay $0x1  }
0x2d8: {  	v13 =	vsub.s32 v10, v1;
	v11 =	vmul.f32 v11, v47  }
0x2d9: {  	v10 =	vand.u32 $0x7F, v10;
	v14 =	vshll.u32 v13, $0x3  }
0x2da: {  	vm1 =	vgt.s32 v13, $0xFFFFFFFF;
	vm2 =	vlt.s32 v13, v2;
	v13 =	vand.u32 $0xFFFFFC00, v14;
	[tilespmem:v26+s18+$0x0] =	vst.idx.add.f32.msk vm0, v11  }
0x2db: {  	vm1 =	vmand vm1, vm2;
	v48 =	vor.u32 v10, v13;
	v10 =	vld.idx.msk [tilespmem:v12+s16+$0x0], vm0;
	_ =	sdelay $0x2  }
0x2dc: {  	v11 =	vor.u32 $0x100, v9;
	_ =	sdelay $0x1  }
0x2dd: {  	v36 =	vld [tilespmem:s1+$0xFFFFFFF0];
	v10 =	vmul.f32 v10, v47  }
0x2de: {  	v12 =	vld.idx.msk [tilespmem:v48+s16+$0x0], vm1  }
0x2df: {  	[tilespmem:v32+s18+$0x0] =	vst.idx.add.f32.msk vm0, v10  }
0x2e0: {  	s2 =	simm.s32 $0x430;
	v10 =	vld.idx.msk [tilespmem:v11+s16+$0x0], vm0  }
0x2e1: {  	v11 =	vld [tilespmem:s2+$0x0]  }
0x2e2: {  	vm2 =	vmmov vm0;
	v13 =	vor.u32 $0x100, v26  }
0x2e3: {  	v14 =	vor.u32 $0x180, v9;
	_ =	sdelay $0x1  }
0x2e4: {  	v16 =	vld [tilespmem:s2+$0xFFFFFFF0];
	v10 =	vmul.f32 v10, v47  }
0x2e5: {  	v15 =	vor.u32 $0x80, v48;
	v12 =	vmul.f32 v12, v36;
	v17 =	vsub.s32 v11, v1  }
0x2e6: {  	vm3 =	vlt.s32 v17, v2;
	[tilespmem:v13+s18+$0x0] =	vst.idx.add.f32.msk vm0, v10;
	vm0 =	vgt.s32 v17, $0xFFFFFFFF;
	v10 =	vshll.u32 v17, $0x3  }
0x2e7: {  	v11 =	vand.u32 $0x7F, v11;
	v13 =	vld.idx.msk [tilespmem:v14+s16+$0x0], vm2;
	vm0 =	vmand vm0, vm3;
	v10 =	vand.u32 $0xFFFFFC00, v10  }
0x2e8: {  	v49 =	vor.u32 v11, v10  }
0x2e9: {  	[tilespmem:v20+s18+$0x0] =	vst.idx.add.f32.msk vm1, v12;
	v12 =	vsub.s32 v16, v1  }
0x2ea: {  	s3 =	simm.s32 $0x830;
	vm4 =	vlt.s32 v12, v2  }
0x2eb: {  	v50 =	vld [tilespmem:s3+$0x0];
	v14 =	vand.u32 $0x7F, v16;
	v16 =	vshll.u32 v12, $0x3;
	vm3 =	vgt.s32 v12, $0xFFFFFFFF  }
0x2ec: {  	v11 =	vld.idx.msk [tilespmem:v15+s16+$0x0], vm1;
	v15 =	vor.u32 $0x200, v9;
	v12 =	vand.u32 $0xFFFFFC00, v16;
	v13 =	vmul.f32 v13, v47  }
0x2ed: {  	v26 =	vor.u32 v14, v12;
	v12 =	vld.idx.msk [tilespmem:v49+s16+$0x0], vm0  }
0x2ee: {  	[tilespmem:v23+s18+$0x0] =	vst.idx.add.f32.msk vm2, v13  }
0x2ef: {  	vm3 =	vmand vm3, vm4;
	v14 =	vld [tilespmem:$0x1FDC0];
	_ =	sdelay $0x1  }
0x2f0: {  	vm1 =	vmmov vm1;
	v13 =	vld.idx.msk [tilespmem:v15+s16+$0x0], vm2;
	_ =	sdelay $0x2  }
0x2f1: {  	v16 =	vor.u32 $0x280, v9;
	v12 =	vmul.f32 v12, v50  }
0x2f2: {  	v11 =	vmul.f32 v11, v36;
	v15 =	vld.idx.msk [tilespmem:v26+s16+$0x0], vm3  }
0x2f3: {  	v10 =	vor.u32 $0x100, v48;
	[tilespmem:v24+s18+$0x0] =	vst.idx.add.f32.msk vm0, v12;
	v12 =	vmul.f32 v13, v47  }
0x2f4: {  	[tilespmem:v14+s18+$0x0] =	vst.idx.add.f32.msk vm1, v11;
	v11 =	vor.u32 $0x80, v49  }
0x2f5: {  	[tilespmem:v28+s18+$0x0] =	vst.idx.add.f32.msk vm2, v12  }
0x2f6: {  	v12 =	vld.idx.msk [tilespmem:v16+s16+$0x0], vm2  }
0x2f7: {  	v16 =	vld [tilespmem:$0x1FDD0]  }
0x2f8: {  	v14 =	vld.idx.msk [tilespmem:v10+s16+$0x0], vm1  }
0x2f9: {  	v11 =	vld.idx.msk [tilespmem:v11+s16+$0x0], vm0  }
0x2fa: {  	v10 =	vld [tilespmem:s3+$0xFFFFFFF0];
	vm0 =	vmmov vm0;
	_ =	sdelay $0x2  }
0x2fb: {  	v13 =	vmul.f32 v14, v36  }
0x2fc: {  	v11 =	vmul.f32 v11, v50  }
0x2fd: {  	v17 =	vor.u32 $0x180, v48;
	[tilespmem:v16+s18+$0x0] =	vst.idx.add.f32.msk vm1, v13;
	v13 =	vmul.f32 v15, v10  }
0x2fe: {  	[tilespmem:v35+s18+$0x0] =	vst.idx.add.f32.msk vm0, v11;
	v11 =	vmul.f32 v12, v47  }
0x2ff: {  	v14 =	vor.u32 $0x80, v26;
	[tilespmem:v34+s18+$0x0] =	vst.idx.add.f32.msk vm3, v13  }
0x300: {  	[tilespmem:v30+s18+$0x0] =	vst.idx.add.f32.msk vm2, v11  }
0x301: {  	v15 =	vor.u32 $0x100, v49;
	v18 =	vld [tilespmem:$0x1FDE0]  }
0x302: {  	v16 =	vld.idx.msk [tilespmem:v17+s16+$0x0], vm1  }
0x303: {  	v13 =	vor.u32 $0x300, v9  }
0x304: {  	v14 =	vld.idx.msk [tilespmem:v14+s16+$0x0], vm3  }
0x305: {  	vm3 =	vmmov vm3  }
0x306: {  	v15 =	vld.idx.msk [tilespmem:v15+s16+$0x0], vm0  }
0x307: {  	v11 =	vmul.f32 v16, v36  }
0x308: {  	v16 =	vor.u32 $0x100, v24;
	v13 =	vld.idx.msk [tilespmem:v13+s16+$0x0], vm2  }
0x309: {  	vm4 =	vmmov vm2;
	[tilespmem:v18+s18+$0x0] =	vst.idx.add.f32.msk vm1, v11;
	v11 =	vmul.f32 v14, v10;
	v14 =	vor.u32 $0x180, v49;
	_ =	sdelay $0x1  }
0x30a: {  	s5 =	simm.s32 $0x450;
	v9 =	vor.u32 $0x380, v9;
	[tilespmem:v33+s18+$0x0] =	vst.idx.add.f32.msk vm3, v11;
	v11 =	vmul.f32 v15, v50  }
0x30b: {  	v17 =	vld [tilespmem:s5+$0x0]  }
0x30c: {  	v12 =	vor.u32 $0x200, v48;
	[tilespmem:v16+s18+$0x0] =	vst.idx.add.f32.msk vm0, v11;
	v11 =	vmul.f32 v13, v47  }
0x30d: {  	v14 =	vld.idx.msk [tilespmem:v14+s16+$0x0], vm0  }
0x30e: {  	[tilespmem:v27+s18+$0x0] =	vst.idx.add.f32.msk vm4, v11  }
0x30f: {  	v9 =	vld.idx.msk [tilespmem:v9+s16+$0x0], vm4  }
0x310: {  	v16 =	vld [tilespmem:$0x1FDF0]  }
0x311: {  	v12 =	vld.idx.msk [tilespmem:v12+s16+$0x0], vm1  }
0x312: {  	v18 =	vld [tilespmem:s5+$0xFFFFFFF0]  }
0x313: {  	v23 =	vor.u32 $0x280, v48;
	v13 =	vsub.s32 v17, v1  }
0x314: {  	v15 =	vor.u32 $0x100, v26;
	vm5 =	vgt.s32 v13, $0xFFFFFFFF;
	v14 =	vmul.f32 v14, v50  }
0x315: {  	vm6 =	vlt.s32 v13, v2;
	v13 =	vshll.u32 v13, $0x3;
	v9 =	vmul.f32 v9, v47  }
0x316: {  	v11 =	vand.u32 $0x7F, v17;
	v13 =	vand.u32 $0xFFFFFC00, v13;
	v12 =	vmul.f32 v12, v36;
	[tilespmem:v29+s18+$0x0] =	vst.idx.add.f32.msk vm0, v14  }
0x317: {  	vm5 =	vmand vm5, vm6;
	v20 =	vor.u32 v11, v13;
	v13 =	vsub.s32 v18, v1;
	[tilespmem:v19+s18+$0x0] =	vst.idx.add.f32.msk vm4, v9  }
0x318: {  	vm6 =	vgt.s32 v13, $0xFFFFFFFF;
	[tilespmem:v16+s18+$0x0] =	vst.idx.add.f32.msk vm1, v12  }
0x319: {  	vm7 =	vlt.s32 v13, v2;
	v12 =	vshll.u32 v13, $0x3;
	v13 =	vor.u32 $0x200, v49;
	v33 =	vld [tilespmem:$0x1FE00]  }
0x31a: {  	v11 =	vld.idx.msk [tilespmem:v15+s16+$0x0], vm3;
	v15 =	vand.u32 $0x7F, v18;
	vm6 =	vmand vm6, vm7;
	v12 =	vand.u32 $0xFFFFFC00, v12  }
0x31b: {  	s21 =	simm.s32 $0x850;
	v17 =	vld.idx.msk [tilespmem:v23+s16+$0x0], vm1;
	v24 =	vor.u32 v15, v12  }
0x31c: {  	s22 =	simm.s32 $0x50;
	v12 =	vld [tilespmem:s21+$0x0]  }
0x31d: {  	s23 =	simm.s32 $0x40;
	v18 =	vor.u32 s22, v5;
	v15 =	vld.idx.msk [tilespmem:v20+s16+$0x0], vm5  }
0x31e: {  	v19 =	vand.u32 $0x7F, v18;
	v16 =	vmov s22;
	v18 =	vld.idx.msk [tilespmem:v13+s16+$0x0], vm0;
	v13 =	vmov s23  }
0x31f: {  	v11 =	vmul.f32 v11, v10;
	v16 =	vshll.u32 v16, $0x3;
	v29 =	vshll.u32 v13, $0x3;
	v13 =	vld [tilespmem:s21+$0xFFFFFFF0]  }
0x320: {  	v9 =	vand.u32 $0x1C00, v16;
	v27 =	vld.idx.msk [tilespmem:v24+s16+$0x0], vm6  }
0x321: {  	v28 =	vor.u32 s23, v5;
	v23 =	vor.u32 v19, v9;
	[tilespmem:v33+s18+$0x0] =	vst.idx.add.f32.msk vm3, v11  }
0x322: {  	v51 =	vand.u32 $0x6F, v28;
	v9 =	vor.u32 $0x80, v20;
	v28 =	vld [tilespmem:$0x1FE10]  }
0x323: {  	v30 =	vand.u32 $0x1C00, v29  }
0x324: {  	vm2 =	vmmov vm1;
	v15 =	vmul.f32 v15, v12;
	v30 =	vor.u32 v51, v30;
	_ =	sdelay $0x1  }
0x325: {  	[tilespmem:v23+s18+$0x0] =	vst.idx.add.f32.msk vm5, v15;
	v15 =	vmul.f32 v18, v50  }
0x326: {  	v14 =	vor.u32 $0x180, v26;
	v9 =	vld.idx.msk [tilespmem:v9+s16+$0x0], vm5;
	v27 =	vmul.f32 v27, v13  }
0x327: {  	v11 =	vmul.f32 v17, v36;
	[tilespmem:v21+s18+$0x0] =	vst.idx.add.f32.msk vm0, v15  }
0x328: {  	[tilespmem:v30+s18+$0x0] =	vst.idx.add.f32.msk vm6, v27  }
0x329: {  	v17 =	vor.u32 $0x280, v49;
	[tilespmem:v28+s18+$0x0] =	vst.idx.add.f32.msk vm2, v11  }
0x32a: {  	v28 =	vld [tilespmem:$0x1FE20]  }
0x32b: {  	vm4 =	vmmov vm5;
	v14 =	vld.idx.msk [tilespmem:v14+s16+$0x0], vm3;
	v11 =	vor.u32 $0x80, v24  }
0x32c: {  	v21 =	vor.u32 $0x80, v23;
	_ =	sdelay $0x1  }
0x32d: {  	v18 =	vor.u32 $0x200, v26;
	v17 =	vld.idx.msk [tilespmem:v17+s16+$0x0], vm0  }
0x32e: {  	vm5 =	vmmov vm0;
	v9 =	vmul.f32 v9, v12  }
0x32f: {  	v14 =	vmul.f32 v14, v10;
	v11 =	vld.idx.msk [tilespmem:v11+s16+$0x0], vm6  }
0x330: {  	v27 =	vor.u32 $0x100, v20;
	vm0 =	vmmov vm6;
	[tilespmem:v21+s18+$0x0] =	vst.idx.add.f32.msk vm4, v9  }
0x331: {  	[tilespmem:v28+s18+$0x0] =	vst.idx.add.f32.msk vm3, v14;
	v28 =	vor.u32 $0x80, v30  }
0x332: {  	v9 =	vmul.f32 v17, v50;
	v14 =	vld.idx.msk [tilespmem:v18+s16+$0x0], vm3;
	v18 =	vor.u32 $0x300, v49;
	_ =	sdelay $0x1  }
0x333: {  	[tilespmem:v25+s18+$0x0] =	vst.idx.add.f32.msk vm5, v9;
	v9 =	vmul.f32 v11, v13  }
0x334: {  	v17 =	vld.idx.msk [tilespmem:v27+s16+$0x0], vm4  }
0x335: {  	[tilespmem:v28+s18+$0x0] =	vst.idx.add.f32.msk vm0, v9  }
0x336: {  	v11 =	vld.idx.msk [tilespmem:v18+s16+$0x0], vm5  }
0x337: {  	v21 =	vor.u32 $0x100, v24;
	v35 =	vld [tilespmem:$0x1FE40]  }
0x338: {  	v18 =	vor.u32 $0x100, v23  }
0x339: {  	s24 =	simm.s32 $0x470  }
0x33a: {  	v27 =	vld [tilespmem:s24+$0xFFFFFFF0]  }
0x33b: {  	v25 =	vld [tilespmem:s24+$0x0];
	v17 =	vmul.f32 v17, v12  }
0x33c: {  	v15 =	vor.u32 $0x300, v48;
	v28 =	vld.idx.msk [tilespmem:v21+s16+$0x0], vm0;
	v11 =	vmul.f32 v11, v50  }
0x33d: {  	v14 =	vmul.f32 v14, v10;
	[tilespmem:v18+s18+$0x0] =	vst.idx.add.f32.msk vm4, v17  }
0x33e: {  	v9 =	vor.u32 $0x180, v20;
	[tilespmem:v22+s18+$0x0] =	vst.idx.add.f32.msk vm5, v11  }
0x33f: {  	v21 =	vor.u32 $0x380, v49;
	[tilespmem:v35+s18+$0x0] =	vst.idx.add.f32.msk vm3, v14  }
0x340: {  	v53 =	vld [tilespmem:$0x1FE30]  }
0x341: {  	v15 =	vld.idx.msk [tilespmem:v15+s16+$0x0], vm1;
	v17 =	vsub.s32 v25, v1  }
0x342: {  	vm7 =	vmmov vm2;
	vm1 =	vgt.s32 v17, $0xFFFFFFFF  }
0x343: {  	v9 =	vld.idx.msk [tilespmem:v9+s16+$0x0], vm4;
	vm2 =	vlt.s32 v17, v2;
	v17 =	vshll.u32 v17, $0x3;
	v11 =	vand.u32 $0x7F, v25  }
0x344: {  	v17 =	vand.u32 $0xFFFFFC00, v17;
	v14 =	vor.u32 $0x380, v48;
	v18 =	vld.idx.msk [tilespmem:v21+s16+$0x0], vm5;
	v21 =	vsub.s32 v27, v1  }
0x345: {  	v17 =	vor.u32 v11, v17;
	v11 =	vand.u32 $0x7F, v27;
	v27 =	vor.u32 $0x180, v23  }
0x346: {  	v15 =	vmul.f32 v15, v36;
	vm2 =	vmand vm1, vm2;
	_ =	sdelay $0x1  }
0x347: {  	v25 =	vshll.u32 v21, $0x3;
	v9 =	vmul.f32 v9, v12;
	[tilespmem:v53+s18+$0x0] =	vst.idx.add.f32.msk vm7, v15;
	v15 =	vor.u32 $0x380, v31  }
0x348: {  	v52 =	vor.u32 $0x280, v26;
	v44 =	vld.idx.msk [tilespmem:v14+s16+$0x0], vm7;
	v14 =	vand.u32 $0xFFFFFC00, v25;
	v25 =	vor.u32 $0x200, v20  }
0x349: {  	s28 =	simm.s32 $0x870;
	v39 =	vor.u32 $0x300, v26;
	vm1 =	vgt.s32 v21, $0xFFFFFFFF;
	[tilespmem:v27+s18+$0x0] =	vst.idx.add.f32.msk vm4, v9;
	v31 =	vor.u32 $0x100, v30  }
0x34a: {  	s29 =	simm.s32 $0x70;
	vm8 =	vlt.s32 v21, v2;
	v21 =	vmul.f32 v18, v50;
	v38 =	vor.u32 v11, v14;
	v14 =	vld [tilespmem:s28+$0x0]  }
0x34b: {  	vm1 =	vmand vm1, vm8;
	v18 =	vmov s29;
	v9 =	vor.u32 s29, v5;
	v11 =	vld.idx.msk [tilespmem:v17+s16+$0x0], vm2  }
0x34c: {  	v18 =	vshll.u32 v18, $0x3;
	[tilespmem:v15+s18+$0x0] =	vst.idx.add.f32.msk vm5, v21;
	v15 =	vor.u32 $0x380, v26;
	v26 =	vmul.f32 v28, v13  }
0x34d: {  	v21 =	vand.u32 $0x7F, v9;
	v9 =	vand.u32 $0x1C00, v18;
	v25 =	vld.idx.msk [tilespmem:v25+s16+$0x0], vm4  }
0x34e: {  	v35 =	vor.u32 v21, v9;
	[tilespmem:v31+s18+$0x0] =	vst.idx.add.f32.msk vm0, v26  }
0x34f: {  	v58 =	vor.u32 $0x280, v20;
	v27 =	vor.u32 $0x180, v24;
	v26 =	vld [tilespmem:$0x1FE50]  }
0x350: {  	s25 =	simm.s32 $0x60;
	vm9 =	vmmov vm7;
	v59 =	vor.u32 $0x200, v24;
	v22 =	vld.idx.msk [tilespmem:v52+s16+$0x0], vm3;
	v31 =	vor.u32 $0x200, v23  }
0x351: {  	vm6 =	vmmov vm3;
	v28 =	vmov s25;
	v9 =	vld [tilespmem:s28+$0xFFFFFFF0];
	v11 =	vmul.f32 v11, v14  }
0x352: {  	v55 =	vor.u32 $0x80, v17;
	v45 =	vshll.u32 v28, $0x3;
	v28 =	vor.u32 s25, v5;
	v54 =	vld.idx.msk [tilespmem:v38+s16+$0x0], vm1  }
0x353: {  	v56 =	vand.u32 $0x1C00, v45;
	v46 =	vand.u32 $0x6F, v28;
	[tilespmem:v35+s18+$0x0] =	vst.idx.add.f32.msk vm2, v11;
	v11 =	vmul.f32 v25, v12  }
0x354: {  	v29 =	vor.u32 v29, v51;
	v60 =	vor.u32 $0x180, v30;
	v57 =	vld.idx.msk [tilespmem:v27+s16+$0x0], vm0;
	v47 =	vor.u32 v46, v56  }
0x355: {  	v22 =	vmul.f32 v22, v10;
	v61 =	vor.u32 $0x80, v38;
	v41 =	vor.u32 $0x100, v38;
	[tilespmem:v31+s18+$0x0] =	vst.idx.add.f32.msk vm4, v11  }
0x356: {  	v28 =	vor.u32 $0x200, v30;
	v27 =	vor.u32 $0x280, v24;
	v25 =	vor.u32 $0x300, v24;
	v62 =	vld.idx.msk [tilespmem:v58+s16+$0x0], vm4  }
0x357: {  	v32 =	vmul.f32 v54, v9;
	v11 =	vor.u32 $0x380, v29;
	vm4 =	vmmov vm4;
	[tilespmem:v26+s18+$0x0] =	vst.idx.add.f32.msk vm6, v22  }
0x358: {  	v58 =	vor.u32 $0x280, v23;
	v26 =	vor.u32 $0x280, v30;
	v30 =	vld.idx.msk [tilespmem:v55+s16+$0x0], vm2;
	v22 =	vor.u32 $0x380, v24  }
0x359: {  	[tilespmem:v47+s18+$0x0] =	vst.idx.add.f32.msk vm1, v32;
	v24 =	vor.u32 $0x300, v29;
	vm2 =	vmmov vm2;
	v29 =	vmul.f32 v57, v13  }
0x35a: {  	v40 =	vor.u32 $0x280, v38;
	vm5 =	vmmov vm1;
	v63 =	vor.u32 $0x80, v35;
	v49 =	vld.idx.msk [tilespmem:v61+s16+$0x0], vm1  }
0x35b: {  	v36 =	vmul.f32 v44, v36;
	vm7 =	vmmov vm5;
	v57 =	vor.u32 $0x100, v17;
	[tilespmem:v60+s18+$0x0] =	vst.idx.add.f32.msk vm0, v29  }
0x35c: {  	vm8 =	vmmov vm5;
	v52 =	vld.idx.msk [tilespmem:v59+s16+$0x0], vm0;
	v59 =	vor.u32 $0x300, v20;
	v61 =	vmul.f32 v62, v12  }
0x35d: {  	v37 =	vor.u32 $0x100, v47;
	v43 =	vld.idx.msk [tilespmem:v39+s16+$0x0], vm3;
	v60 =	vor.u32 $0x80, v47;
	v30 =	vmul.f32 v30, v14  }
0x35e: {  	v34 =	vor.u32 $0x180, v47;
	v42 =	vor.u32 $0x200, v47;
	v31 =	vor.u32 $0x200, v38;
	[tilespmem:v58+s18+$0x0] =	vst.idx.add.f32.msk vm4, v61  }
0x35f: {  	v32 =	vor.u32 $0x180, v38;
	vm3 =	vmmov vm6;
	vm6 =	vmmov vm0;
	[tilespmem:v63+s18+$0x0] =	vst.idx.add.f32.msk vm2, v30  }
0x360: {  	v29 =	vor.u32 $0x280, v47;
	v62 =	vor.u32 v45, v46;
	v63 =	vmul.f32 v49, v9;
	v46 =	vld.idx.msk [tilespmem:v57+s16+$0x0], vm2  }
0x361: {  	v47 =	vor.u32 $0x100, v35;
	v39 =	vor.u32 $0x300, v62;
	v33 =	vor.u32 $0x380, v62;
	v44 =	vld.idx.msk [tilespmem:v59+s16+$0x0], vm4  }
0x362: {  	s30 =	simm.s32 $0x6;
	s31 =	simm.s32 $0x490;
	v30 =	vor.u32 $0x300, v38;
	v38 =	vor.u32 $0x380, v38;
	v45 =	vmul.f32 v52, v13;
	[tilespmem:v60+s18+$0x0] =	vst.idx.add.f32.msk vm1, v63  }
.LBB2_10:
0x363: {  	vm10 =	vmmov vm1  }
0x364: {  	v49 =	vor.u32 $0x180, v17;
	v43 =	vmul.f32 v43, v10;
	v48 =	vld [tilespmem:s31+$0x0]  }
0x365: {  	v51 =	vor.u32 $0x300, v23;
	v23 =	vmov v35;
	v50 =	vld [tilespmem:s31+$0xFFFFFFF0]  }
0x366: {  	v35 =	vld.idx.msk [tilespmem:v41+s16+$0x0], vm5;
	v41 =	vmul.f32 v46, v14;
	v46 =	vor.u32 $0x380, v20;
	v20 =	vmov v17  }
0x367: {  	s30 =	sadd.s32 $0x2, s30;
	[tilespmem:v28+s18+$0x0] =	vst.idx.add.f32.msk vm6, v45;
	v28 =	vmov v42  }
0x368: {  	p1 =	slt.u32 s30, $0x3E;
	v17 =	vmul.f32 v44, v12;
	[tilespmem:v47+s18+$0x0] =	vst.idx.add.f32.msk vm2, v41  }
0x369: {  	v41 =	vsub.s32 v48, v1;
	v42 =	vld.idx.msk [tilespmem:v49+s16+$0x0], vm2  }
0x36a: {  	vm1 =	vgt.s32 v41, $0xFFFFFFFF;
	vm11 =	vlt.s32 v41, v2;
	v41 =	vshll.u32 v41, $0x3;
	[tilespmem:v51+s18+$0x0] =	vst.idx.add.f32.msk vm4, v17  }
0x36b: {  	v17 =	vand.u32 $0x7F, v48;
	vm11 =	vmand vm1, vm11;
	v41 =	vand.u32 $0xFFFFFC00, v41;
	v44 =	vld.idx.msk [tilespmem:v46+s16+$0x0], vm4  }
0x36c: {  	v45 =	vsub.s32 v50, v1;
	v46 =	vand.u32 $0x7F, v50;
	v17 =	vor.u32 v17, v41;
	v47 =	vld.idx.msk [tilespmem:v27+s16+$0x0], vm6;
	v27 =	vmovc v40  }
0x36d: {  	v48 =	vor.u32 $0x180, v23;
	v40 =	vshll.u32 v45, $0x3;
	v41 =	vor.u32 v19, v16;
	v16 =	vmovc v18;
	[tilespmem:v8+s18+$0x0] =	vst.idx.add.f32.msk vm3, v43  }
0x36e: {  	vm1 =	vgt.s32 v45, $0xFFFFFFFF;
	vm12 =	vlt.s32 v45, v2;
	v19 =	vmovc v21;
	v43 =	vor.u32 $0x380, v41;
	v45 =	vld.idx.msk [tilespmem:v15+s16+$0x0], vm3;
	v15 =	vmovc v22  }
0x36f: {  	s28 =	sadd.s32 $0x20, s28;
	vm1 =	vmand vm1, vm12;
	v18 =	vand.u32 $0xFFFFFC00, v40;
	v40 =	vor.u32 $0x200, v20;
	v8 =	vmovc v24;
	v22 =	vmovc v38;
	[tilespmem:v6+s18+$0x0] =	vst.idx.add.f32.msk vm9, v36  }
0x370: {  	v24 =	vmovc v39;
	v36 =	vor.u32 v46, v18;
	v46 =	vmul.f32 v35, v9;
	v18 =	vmul.f32 v42, v14;
	v38 =	vld [tilespmem:s28+$0x0]  }
0x371: {  	s29 =	sadd.s32 $0x20, s29;
	v6 =	vmovc v7;
	v49 =	vor.u32 $0x80, v36;
	v41 =	vor.u32 $0x100, v36;
	v21 =	vmul.f32 v44, v12;
	v12 =	vmovc v14;
	v39 =	vld.idx.msk [tilespmem:v17+s16+$0x0], vm11  }
0x372: {  	s0 =	sadd.s32 $0xFFFFFFF0, s29;
	v7 =	vmovc v11;
	v11 =	vmovc v33;
	v42 =	vor.u32 $0x180, v36;
	v44 =	vor.u32 $0x200, v36;
	v14 =	vmov s29;
	[tilespmem:v48+s18+$0x0] =	vst.idx.add.f32.msk vm2, v18  }
0x373: {  	v33 =	vmov s0;
	v35 =	vor.u32 s29, v5;
	v18 =	vshll.u32 v14, $0x3;
	[tilespmem:v43+s18+$0x0] =	vst.idx.add.f32.msk vm4, v21  }
0x374: {  	v33 =	vshll.u32 v33, $0x3;
	v21 =	vand.u32 $0x7F, v35;
	v51 =	vand.u32 $0x1C00, v18;
	v43 =	vld.idx.msk [tilespmem:v40+s16+$0x0], vm2  }
0x375: {  	v50 =	vand.u32 $0x1C00, v33;
	v40 =	vor.u32 s0, v5;
	v35 =	vor.u32 v21, v51;
	v48 =	vld.idx.msk [tilespmem:v36+s16+$0x0], vm1;
	v14 =	vmovc v38  }
0x376: {  	v52 =	vor.u32 $0x80, v17;
	v38 =	vand.u32 $0x6F, v40;
	v40 =	vor.u32 $0x280, v36;
	v51 =	vld [tilespmem:s28+$0xFFFFFFF0]  }
0x377: {  	v47 =	vmul.f32 v47, v13;
	v50 =	vor.u32 v38, v50;
	[tilespmem:v37+s18+$0x0] =	vst.idx.add.f32.msk vm5, v46;
	v46 =	vor.u32 $0x200, v23  }
0x378: {  	v55 =	vor.u32 $0x280, v20;
	v39 =	vmul.f32 v39, v14;
	v53 =	vor.u32 $0x80, v50;
	v54 =	vld.idx.msk [tilespmem:v32+s16+$0x0], vm5;
	v32 =	vmovc v42  }
0x379: {  	v37 =	vor.u32 $0x100, v50;
	v56 =	vor.u32 $0x180, v50;
	v42 =	vor.u32 $0x200, v50;
	[tilespmem:v26+s18+$0x0] =	vst.idx.add.f32.msk vm6, v47;
	v26 =	vmovc v29  }
0x37a: {  	v29 =	vor.u32 $0x280, v50;
	v47 =	vor.u32 $0x300, v36;
	v43 =	vmul.f32 v43, v12;
	[tilespmem:v35+s18+$0x0] =	vst.idx.add.f32.msk vm11, v39  }
0x37b: {  	v33 =	vor.u32 v33, v38;
	v38 =	vor.u32 $0x380, v36;
	v48 =	vmul.f32 v48, v51;
	v52 =	vld.idx.msk [tilespmem:v52+s16+$0x0], vm11  }
0x37c: {  	v36 =	vmul.f32 v45, v10;
	v10 =	vmovc v13;
	v39 =	vor.u32 $0x300, v33;
	v33 =	vor.u32 $0x380, v33;
	[tilespmem:v46+s18+$0x0] =	vst.idx.add.f32.msk vm2, v43  }
0x37d: {  	vm9 =	vmmov vm3;
	vm4 =	vmmov vm2;
	v13 =	vmovc v9;
	v9 =	vmovc v51;
	v45 =	vld.idx.msk [tilespmem:v55+s16+$0x0], vm2;
	vm2 =	vmmov vm11  }
0x37e: {  	vm3 =	vmmov vm6;
	v46 =	vor.u32 $0x80, v35;
	v43 =	vmul.f32 v54, v13;
	[tilespmem:v50+s18+$0x0] =	vst.idx.add.f32.msk vm1, v48  }
0x37f: {  	vm6 =	vmmov vm5;
	vm5 =	vmmov vm1;
	v48 =	vld.idx.msk [tilespmem:v49+s16+$0x0], vm1;
	v49 =	vor.u32 $0x100, v17  }
0x380: {  	v50 =	vor.u32 $0x280, v23;
	[tilespmem:v34+s18+$0x0] =	vst.idx.add.f32.msk vm7, v43;
	v34 =	vmov v56;
	vm7 =	vmmov vm1  }
0x381: {  	v54 =	vor.u32 $0x300, v20;
	v51 =	vmul.f32 v52, v14;
	v52 =	vld.idx.msk [tilespmem:v31+s16+$0x0], vm8;
	v31 =	vmovc v44;
	vm8 =	vmmov vm1  }
0x382: {  	v43 =	vld.idx.msk [tilespmem:v25+s16+$0x0], vm0;
	v25 =	vmov v30;
	v30 =	vmov v47;
	vm0 =	vmmov vm10  }
.Ltmp4:
0x383: {  	v44 =	vmul.f32 v45, v12;
	[tilespmem:v46+s18+$0x0] =	vst.idx.add.f32.msk vm11, v51;
	(pc) =	sbr.rel @p1 .LBB2_10-.Ltmp4, $4  }
0x384: {  	v46 =	vld.idx.msk [tilespmem:v49+s16+$0x0], vm11  }
0x385: {  	v45 =	vmul.f32 v48, v9;
	[tilespmem:v50+s18+$0x0] =	vst.idx.add.f32.msk vm4, v44  }
0x386: {  	v44 =	vld.idx.msk [tilespmem:v54+s16+$0x0], vm4  }
0x387: {  	s31 =	sadd.s32 $0x20, s31;
	v47 =	vor.u32 $0x100, v35;
	[tilespmem:v53+s18+$0x0] =	vst.idx.add.f32.msk vm1, v45;
	v45 =	vmul.f32 v52, v13  }
0x388: {  	_ =	sdelay $0x4  }
0x389: {  	v41 =	vld.idx.msk [tilespmem:v41+s16+$0x0], vm5  }
0x38a: {  	v48 =	vor.u32 $0x180, v17;
	_ =	sdelay $0x1  }
0x38b: {  	v46 =	vmul.f32 v46, v14;
	_ =	sdelay $0x1  }
0x38c: {  	[tilespmem:v47+s18+$0x0] =	vst.idx.add.f32.msk vm2, v46;
	v41 =	vmul.f32 v41, v9  }
0x38d: {  	v46 =	vld.idx.msk [tilespmem:v48+s16+$0x0], vm2  }
0x38e: {  	[tilespmem:v37+s18+$0x0] =	vst.idx.add.f32.msk vm5, v41  }
0x38f: {  	v60 =	vor.u32 $0x180, v35;
	v32 =	vld.idx.msk [tilespmem:v32+s16+$0x0], vm5  }
0x390: {  	v61 =	vor.u32 $0x200, v17;
	_ =	sdelay $0x1  }
0x391: {  	v62 =	vmul.f32 v46, v14;
	_ =	sdelay $0x1  }
0x392: {  	[tilespmem:v60+s18+$0x0] =	vst.idx.add.f32.msk vm2, v62;
	v32 =	vmul.f32 v32, v9  }
0x393: {  	v37 =	vld.idx.msk [tilespmem:v61+s16+$0x0], vm2  }
0x394: {  	[tilespmem:v34+s18+$0x0] =	vst.idx.add.f32.msk vm7, v32  }
0x395: {  	v63 =	vor.u32 $0x200, v35;
	v31 =	vld.idx.msk [tilespmem:v31+s16+$0x0], vm8  }
0x396: {  	vm11 =	vmmov vm5;
	v48 =	vor.u32 $0x280, v17;
	_ =	sdelay $0x1  }
0x397: {  	[tilespmem:v28+s18+$0x0] =	vst.idx.add.f32.msk vm6, v45;
	v49 =	vmul.f32 v37, v14  }
0x398: {  	v27 =	vld.idx.msk [tilespmem:v27+s16+$0x0], vm6  }
0x399: {  	v23 =	vor.u32 $0x300, v23;
	[tilespmem:v63+s18+$0x0] =	vst.idx.add.f32.msk vm2, v49;
	v50 =	vmul.f32 v31, v9  }
0x39a: {  	v32 =	vld.idx.msk [tilespmem:v48+s16+$0x0], vm2  }
0x39b: {  	vm12 =	vmmov vm2;
	v57 =	vmul.f32 v43, v10;
	[tilespmem:v42+s18+$0x0] =	vst.idx.add.f32.msk vm11, v50  }
0x39c: {  	v51 =	vor.u32 $0x280, v35;
	v52 =	vmul.f32 v44, v12;
	v28 =	vld.idx.msk [tilespmem:v40+s16+$0x0], vm11  }
0x39d: {  	v53 =	vor.u32 $0x300, v17;
	[tilespmem:v8+s18+$0x0] =	vst.idx.add.f32.msk vm3, v57;
	v27 =	vmul.f32 v27, v13  }
0x39e: {  	vm1 =	vmmov vm1;
	[tilespmem:v23+s18+$0x0] =	vst.idx.add.f32.msk vm4, v52  }
0x39f: {  	[tilespmem:v26+s18+$0x0] =	vst.idx.add.f32.msk vm6, v27;
	v54 =	vmul.f32 v32, v14  }
0x3a0: {  	v25 =	vld.idx.msk [tilespmem:v25+s16+$0x0], vm0  }
0x3a1: {  	v20 =	vor.u32 $0x380, v20;
	[tilespmem:v51+s18+$0x0] =	vst.idx.add.f32.msk vm12, v54;
	v55 =	vmul.f32 v28, v9  }
0x3a2: {  	v23 =	vld.idx.msk [tilespmem:v53+s16+$0x0], vm12  }
0x3a3: {  	[tilespmem:v29+s18+$0x0] =	vst.idx.add.f32.msk vm11, v55  }
0x3a4: {  	v56 =	vor.u32 $0x300, v35;
	v26 =	vld.idx.msk [tilespmem:v30+s16+$0x0], vm1  }
0x3a5: {  	v58 =	vor.u32 $0x380, v17;
	v15 =	vld.idx.msk [tilespmem:v15+s16+$0x0], vm3;
	v59 =	vmul.f32 v25, v13  }
0x3a6: {  	v20 =	vld.idx.msk [tilespmem:v20+s16+$0x0], vm4  }
0x3a7: {  	[tilespmem:v24+s18+$0x0] =	vst.idx.add.f32.msk vm6, v59;
	v8 =	vmul.f32 v23, v14  }
0x3a8: {  	v61 =	vld.idx.msk [tilespmem:v22+s16+$0x0], vm6  }
0x3a9: {  	vm15 =	vmmov vm3;
	[tilespmem:v56+s18+$0x0] =	vst.idx.add.f32.msk vm12, v8;
	v60 =	vmul.f32 v26, v9  }
0x3aa: {  	vm13 =	vmmov vm6;
	v16 =	vor.u32 v19, v16;
	v8 =	vld.idx.msk [tilespmem:v58+s16+$0x0], vm12  }
0x3ab: {  	v16 =	vor.u32 $0x380, v16;
	vm0 =	vmmov vm13;
	[tilespmem:v39+s18+$0x0] =	vst.idx.add.f32.msk vm11, v60  }
0x3ac: {  	v18 =	vor.u32 v21, v18;
	vm14 =	vmmov vm11;
	v63 =	vld.idx.msk [tilespmem:v38+s16+$0x0], vm11  }
0x3ad: {  	[tilespmem:v6+s18+$0x0] =	vst.idx.add.f32.msk vm9, v36;
	v6 =	vmul.f32 v15, v10;
	v62 =	vor.u32 $0x380, v18;
	vm1 =	vmmov vm14  }
0x3ae: {  	v12 =	vmul.f32 v20, v12  }
0x3af: {  	[tilespmem:v7+s18+$0x0] =	vst.idx.add.f32.msk vm15, v6;
	v6 =	vmul.f32 v61, v13  }
0x3b0: {  	[tilespmem:v16+s18+$0x0] =	vst.idx.add.f32.msk vm4, v12;
	v8 =	vmul.f32 v8, v14  }
0x3b1: {  	[tilespmem:v11+s18+$0x0] =	vst.idx.add.f32.msk vm0, v6;
	v7 =	vmul.f32 v63, v9  }
0x3b2: {  	[tilespmem:v62+s18+$0x0] =	vst.idx.add.f32.msk vm12, v8  }
0x3b3: {  	[tilespmem:v33+s18+$0x0] =	vst.idx.add.f32.msk vm1, v7  }
0x3b4: {  	[spmem:s9] =	stream.linear.scatter [tilespmem:s18], [sflag:$0x2], $0x2000, $0x38;
	[tilespmem:$0x1FC00] =	vst v63  }
0x3b5: {  	_ =	swait.ge [sflag:s15], $0x2000  }
0x3b6: {  	[sflag:s15] =	ssyncset.done $0x0  }
0x3b7: {  	[sflag:s15] =	ssyncadd.s32 $0xFFFFE000  }
0x3b8: {  	s0 =	simm.s32 $0x1B400;
	[bflag:$0x0] =	sbarrier.arrive $0xFFFF  }
0x3b9: {  	[tilespmem:s0], [sflag:$0x2] =	stream.strided.gather [spmem:s8], $0x800, s20, s19, $0x38;
	[tilespmem:$0x1FC00] =	vst v63  }
0x3ba: {  	_ =	swait.ge [sflag:s15], $0x800  }
0x3bb: {  	[sflag:s15] =	ssyncset.done $0x0  }
0x3bc: {  	s25 =	simm.s32 $0x1BC00;
	[sflag:s15] =	ssyncadd.s32 $0xFFFFF800  }
0x3bd: {  	[tilespmem:s25], [sflag:$0x2] =	stream.strided.gather [spmem:s10], $0x800, s20, s19, $0x38;
	[tilespmem:$0x1FC00] =	vst v63  }
0x3be: {  	_ =	swait.ge [sflag:s15], $0x800  }
0x3bf: {  	[sflag:s15] =	ssyncset.done $0x0  }
0x3c0: {  	s29 =	simm.s32 $0x1C400;
	[sflag:s15] =	ssyncadd.s32 $0xFFFFF800  }
0x3c1: {  	[tilespmem:s29], [sflag:$0x2] =	stream.strided.gather [spmem:s11], $0x800, s20, s19, $0x38;
	[tilespmem:$0x1FC00] =	vst v63  }
0x3c2: {  	_ =	swait.ge [sflag:s15], $0x800  }
0x3c3: {  	[sflag:s15] =	ssyncset.done $0x0  }
0x3c4: {  	s30 =	simm.s32 $0x1CC00;
	[sflag:s15] =	ssyncadd.s32 $0xFFFFF800  }
0x3c5: {  	[tilespmem:s30], [sflag:$0x2] =	stream.strided.gather [spmem:s12], $0x800, s20, s19, $0x38;
	[tilespmem:$0x1FC00] =	vst v63  }
0x3c6: {  	s31 =	simm.s32 $0x0;
	_ =	swait.ge [sflag:s15], $0x800  }
0x3c7: {  	s1 =	sand.u32 $0x60, s31;
	s0 =	sand.u32 $0x700, s31;
	[sflag:s15] =	ssyncset.done $0x0  }
0x3c8: {  	s28 =	sor.u32 s1, s0;
	[sflag:s15] =	ssyncadd.s32 $0xFFFFF800  }
0x3c9: {  	v7 =	vld [tilespmem:s28+$0x1B490]  }
0x3ca: {  	v8 =	vld [tilespmem:s28+$0x1BC90]  }
0x3cb: {  	v9 =	vld [tilespmem:s28+$0x1C490]  }
0x3cc: {  	v10 =	vld [tilespmem:s28+$0x1CC90]  }
0x3cd: {  	v11 =	vld [tilespmem:s28+$0x1B400]  }
0x3ce: {  	v12 =	vld [tilespmem:s28+$0x1BC00]  }
0x3cf: {  	v13 =	vld [tilespmem:s28+$0x1C400]  }
0x3d0: {  	v14 =	vld [tilespmem:s28+$0x1CC00]  }
0x3d1: {  	v6 =	vld [tilespmem:s28+$0x1B480]  }
0x3d2: {  	v7 =	vadd.f32 v8, v7;
	v10 =	vadd.f32 v10, v9;
	v9 =	vld [tilespmem:s28+$0x1BC80]  }
0x3d3: {  	v8 =	vld [tilespmem:s28+$0x1C480]  }
0x3d4: {  	v15 =	vadd.f32 v10, v7;
	v10 =	vld [tilespmem:s28+$0x1CC80]  }
0x3d5: {  	v12 =	vadd.f32 v12, v11;
	v13 =	vadd.f32 v14, v13;
	v11 =	vld [tilespmem:s28+$0x1BC10]  }
0x3d6: {  	s2 =	simm.s32 $0x20;
	s0 =	simm.s32 $0x0;
	s1 =	simm.s32 $0x40;
	v7 =	vld [tilespmem:s28+$0x1B410];
	[tilespmem:s28+$0x1D490] =	vst v15  }
.LBB2_12:
0x3d7: {  	s3 =	sand.u32 $0x60, s2;
	s5 =	sand.u32 $0x700, s1;
	v12 =	vadd.f32 v13, v12;
	v6 =	vadd.f32 v9, v6;
	v9 =	vld [tilespmem:s28+$0x1C410]  }
0x3d8: {  	s3 =	sor.u32 s3, s5;
	v13 =	vld [tilespmem:s28+$0x1CC10]  }
0x3d9: {  	v14 =	vld [tilespmem:s3+$0x1B490];
	[tilespmem:s28+$0x1D400] =	vst v12;
	v8 =	vadd.f32 v10, v8  }
0x3da: {  	s0 =	sadd.s32 $0x2, s0;
	v10 =	vld [tilespmem:s3+$0x1BC90]  }
0x3db: {  	p1 =	slt.u32 s0, $0x3E;
	v12 =	vld [tilespmem:s3+$0x1C490];
	v6 =	vadd.f32 v8, v6;
	v7 =	vadd.f32 v11, v7  }
0x3dc: {  	v8 =	vld [tilespmem:s3+$0x1CC90]  }
0x3dd: {  	v11 =	vld [tilespmem:s3+$0x1B400];
	[tilespmem:s28+$0x1D480] =	vst v6;
	v6 =	vadd.f32 v13, v9  }
0x3de: {  	v13 =	vld [tilespmem:s3+$0x1BC00]  }
0x3df: {  	v15 =	vld [tilespmem:s3+$0x1C400];
	v7 =	vadd.f32 v6, v7  }
0x3e0: {  	v16 =	vld [tilespmem:s3+$0x1CC00]  }
0x3e1: {  	v10 =	vadd.f32 v10, v14;
	v6 =	vld [tilespmem:s3+$0x1B480];
	v14 =	vadd.f32 v8, v12;
	[tilespmem:s28+$0x1D410] =	vst v7;
	s28 =	smov.u32 s3  }
.Ltmp5:
0x3e2: {  	v9 =	vld [tilespmem:s28+$0x1BC80];
	(pc) =	sbr.rel @p1 .LBB2_12-.Ltmp5, $4  }
0x3e3: {  	v12 =	vadd.f32 v13, v11;
	v8 =	vld [tilespmem:s28+$0x1C480];
	v11 =	vadd.f32 v14, v10  }
0x3e4: {  	v10 =	vld [tilespmem:s28+$0x1CC80]  }
0x3e5: {  	v13 =	vadd.f32 v16, v15;
	v7 =	vld [tilespmem:s28+$0x1B410];
	[tilespmem:s28+$0x1D490] =	vst v11  }
0x3e6: {  	s1 =	sadd.s32 $0x40, s1;
	s2 =	sadd.s32 $0x20, s2;
	v11 =	vld [tilespmem:s28+$0x1BC10]  }
0x3e7: {  	v14 =	vld [tilespmem:s28+$0x1C410]  }
0x3e8: {  	v15 =	vld [tilespmem:s28+$0x1CC10];
	_ =	sdelay $0x2  }
0x3e9: {  	v12 =	vadd.f32 v13, v12  }
0x3ea: {  	v6 =	vadd.f32 v9, v6;
	v8 =	vadd.f32 v10, v8  }
0x3eb: {  	v7 =	vadd.f32 v11, v7;
	v63 =	vadd.f32 v15, v14  }
0x3ec: {  	v6 =	vadd.f32 v8, v6  }
0x3ed: {  	s26 =	sadd.s32 $0x1, s26;
	[tilespmem:s28+$0x1D400] =	vst v12;
	v7 =	vadd.f32 v63, v7  }
0x3ee: {  	p1 =	sne.s32 s26, s14;
	[tilespmem:s28+$0x1D480] =	vst v6  }
.Ltmp6:
0x3ef: {  	s0 =	simm.s32 $0x1D400;
	[tilespmem:s28+$0x1D410] =	vst v7;
	(pc) =	sbr.rel @p1 .LBB2_1-.Ltmp6, $4  }
0x3f0: {  	[hbm4b:s13+s19] =	stream.strided.scatter [tilespmem:s0], [sflag:$0x2], $0x800, s20, s19, $0x38;
	[tilespmem:$0x1FC00] =	vst v63  }
0x3f1: {  	_ =	swait.ge [sflag:s15], $0x800  }
0x3f2: {  	[sflag:s15] =	ssyncset.done $0x0  }
0x3f3: {  	[sflag:s15] =	ssyncadd.s32 $0xFFFFF800  }
0x3f4: {  	_ =	sfence.sel $0x180000  }
0x3f5: {  	[bflag:$0x0] =	sbarrier.arrive $0xFFFF  }
0x3f6: {  	_ =	strace $0x90000047  }
0x3f7: {  	s0 =	stileid.u32;
	[bflag:$0x2] =	sbarrier.arrive $0xFFFF  }
0x3f8: {  	p0 =	sne.s32 s0, $0x0;
	s0 =	rddreg [dreg:$0x5]  }
0x3f9: {  	s0 =	sadd.s32 @!p0 $0x100000, s0  }
0x3fa: {  	[sflag:s0] =	ssyncadd.tile.s32 @!p0 $0x1;
	_ =	shalt  }
.Lfunc_end2:
_tile_overlayer_lowered:
.L_overlay_start_2:
0x3fb: {  	(tag) =	ssettag $0x2  }
0x3fc: {  	s0 =	rddreg [dreg:$0x0];
	s2 =	stileid.u32  }
0x3fd: {  	s1 =	rddreg [dreg:$0x1];
	p0 =	sne.s32 s2, $0x0  }
0x3fe: {  	s3 =	rddreg [dreg:$0x2];
	[bflag:$0x3] =	sbarrier.arrive $0xFFFF;
	s2 =	simm.s32 @!p0 $0x1C02  }
0x3ff: {  	[timem:s3], [sflag:s2] =	dma.local @!p0 [hbm:s0], s1  }
0x400: {  	s0 =	simm.s32 @!p0 $0x2  }
0x401: {  	_ =	swait.ge @!p0 [sflag:s0], s1  }
0x402: {  	s1 =	ssub.s32 @!p0 $0x0, s1;
	[sflag:s0] =	ssyncset.done @!p0 $0x0  }
0x403: {  	[sflag:s0] =	ssyncadd.s32 @!p0 s1  }
0x404: {  	[bflag:$0x3] =	sbarrier.arrive $0xFFFF  }
0x405: {  	_ =	shalt  }

</sc_bundles>
